<compile_context>
chip_gen: v7x
topology: tpu7x:2x2x1
jax: 0.10.2.dev20260603
libtpu: 0.0.44.dev20260713+nightly
codegen_flags: <defaults>
</compile_context>

<pallas_src>
import functools

import jax
import jax.numpy as jnp
from jax import lax
from jax.experimental import pallas as pl
from jax.experimental.pallas import tpu as pltpu
from jax.experimental.pallas import tpu_sc as plsc

NC = 2
NS = 16
L = 16
NW = NC * NS

B = 16384
D = 128
CHUNK = 128
ROWS_PER_W = B // NW
NCHUNK = ROWS_PER_W // CHUNK
NSUB = D // L
NGROUP = CHUNK // L


def _gmf_body(vidx_hbm, hidx_hbm, virus_hbm, human_hbm, vb_hbm, hb_hbm,
              w_hbm, b_hbm, out_hbm,
              vidx_v, hidx_v, vrows_v, hrows_v, vb_v, hb_v, w_v, b_v,
              ws_v, pscr_v, out_v, sem, bsem):
    wid = lax.axis_index("s") * NC + lax.axis_index("c")

    lane_iota = lax.iota(jnp.int32, L)

    def hsplat(x):
        for k in (1, 2, 4, 8):
            idx = lax.bitwise_xor(lane_iota, k)
            x = x + x.at[idx].get(mode="promise_in_bounds")
        return x

    merge_masks = [(lane_iota & h) == 0 for h in (8, 4, 2, 1)]
    merge_perms = [lax.bitwise_xor(lane_iota, h) for h in (8, 4, 2, 1)]
    bitrev = [0, 8, 4, 12, 2, 10, 6, 14, 1, 9, 5, 13, 3, 11, 7, 15]

    def issue(j, s):
        pltpu.async_copy(virus_hbm.at[vidx_v.at[j, 0]], vrows_v.at[s],
                         sem.at[s])
        pltpu.async_copy(human_hbm.at[hidx_v.at[j, 0]], hrows_v.at[s],
                         sem.at[s])
        pltpu.async_copy(vb_hbm.at[vidx_v.at[j]], vb_v.at[s], bsem.at[s])
        pltpu.async_copy(hb_hbm.at[hidx_v.at[j]], hb_v.at[s], bsem.at[s])

    def chunk_body(j, carry):
        s = lax.rem(j, 2)
        ns = lax.rem(j + 1, 2)

        @pl.when(j == 0)
        def _():
            csem = sem.at[0]
            pltpu.async_copy(vidx_hbm.at[wid], vidx_v, csem)
            pltpu.async_copy(hidx_hbm.at[wid], hidx_v, csem)
            pltpu.async_copy(w_hbm, w_v, csem)
            pltpu.async_copy(b_hbm, b_v.at[pl.ds(0, 1)], csem)
            pltpu.make_async_copy(vidx_hbm.at[wid], vidx_v, csem).wait()
            pltpu.make_async_copy(hidx_hbm.at[wid], hidx_v, csem).wait()
            pltpu.make_async_copy(w_hbm, w_v, csem).wait()
            pltpu.make_async_copy(b_hbm, b_v.at[pl.ds(0, 1)], csem).wait()
            issue(0, 0)
            wtot = w_v[pl.ds(0, L)]
            for c in range(1, NSUB):
                wtot = wtot + w_v[pl.ds(c * L, L)]
            bvec0 = hsplat(jnp.where(lane_iota == 0, b_v[...], 0.0))
            ws_v[...] = hsplat(wtot)
            b_v[...] = bvec0

        @pl.when(j < NCHUNK - 1)
        def _():
            issue(j + 1, ns)

        pltpu.make_async_copy(virus_hbm.at[vidx_v.at[j, 0]], vrows_v.at[s],
                              sem.at[s]).wait()
        pltpu.make_async_copy(human_hbm.at[hidx_v.at[j, 0]], hrows_v.at[s],
                              sem.at[s]).wait()

        wvecs = [w_v[pl.ds(c * L, L)] for c in range(NSUB)]

        @plsc.parallel_loop(0, CHUNK, 1, unroll=8)
        def row_body(rr):
            acc0 = (vrows_v[s, rr, pl.ds(0, L)]
                    * hrows_v[s, rr, pl.ds(0, L)] * wvecs[0])
            acc1 = (vrows_v[s, rr, pl.ds(L, L)]
                    * hrows_v[s, rr, pl.ds(L, L)] * wvecs[1])
            for c in range(2, NSUB, 2):
                acc0 = acc0 + (vrows_v[s, rr, pl.ds(c * L, L)]
                               * hrows_v[s, rr, pl.ds(c * L, L)]
                               * wvecs[c])
                acc1 = acc1 + (vrows_v[s, rr, pl.ds((c + 1) * L, L)]
                               * hrows_v[s, rr, pl.ds((c + 1) * L, L)]
                               * wvecs[c + 1])
            pscr_v[rr, :] = acc0 + acc1

        pltpu.make_async_copy(vb_hbm.at[vidx_v.at[j]], vb_v.at[s],
                              bsem.at[s]).wait()
        pltpu.make_async_copy(hb_hbm.at[hidx_v.at[j]], hb_v.at[s],
                              bsem.at[s]).wait()

        @plsc.parallel_loop(0, NGROUP, 1, unroll=2)
        def group_body(g):
            rbase = g * L

            def tree(lo, span):
                if span == 1:
                    return pscr_v[rbase + bitrev[lo], :]
                half = span // 2
                x = tree(lo, half)
                y = tree(lo + half, half)
                stage = {8: 0, 4: 1, 2: 2, 1: 3}[L // span]
                prm = merge_perms[stage]
                u = x + x.at[prm].get(mode="promise_in_bounds")
                v = y + y.at[prm].get(mode="promise_in_bounds")
                return jnp.where(merge_masks[stage], u, v)

            dot = tree(0, L)
            vbg = vb_v[s, 0, pl.ds(rbase, L)]
            hbg = hb_v[s, 0, pl.ds(rbase, L)]
            z = dot + (vbg + hbg) * ws_v[...] + b_v[...]
            res = 1.0 / (1.0 + jnp.exp(-z))
            out_v[pl.ds(j * CHUNK + rbase, L)] = res

        return carry

    lax.fori_loop(0, NCHUNK, chunk_body, 0)
    pltpu.sync_copy(out_v, out_hbm.at[pl.ds(wid * ROWS_PER_W, ROWS_PER_W)])


@jax.jit
def _gmf(vidx, hidx, virus, human, vb, hb, w, b):
    mesh = plsc.VectorSubcoreMesh(core_axis_name="c", subcore_axis_name="s")
    run = functools.partial(
        pl.kernel,
        out_type=jax.ShapeDtypeStruct((B,), jnp.float32),
        mesh=mesh,
        scratch_types=[
            pltpu.VMEM((NCHUNK, 1, CHUNK), jnp.int32),
            pltpu.VMEM((NCHUNK, 1, CHUNK), jnp.int32),
            pltpu.VMEM((2, CHUNK, D), jnp.float32),
            pltpu.VMEM((2, CHUNK, D), jnp.float32),
            pltpu.VMEM((2, 1, CHUNK), jnp.float32),
            pltpu.VMEM((2, 1, CHUNK), jnp.float32),
            pltpu.VMEM((D,), jnp.float32),
            pltpu.VMEM((L,), jnp.float32),
            pltpu.VMEM((L,), jnp.float32),
            pltpu.VMEM((CHUNK, L), jnp.float32),
            pltpu.VMEM((ROWS_PER_W,), jnp.float32),
            pltpu.SemaphoreType.DMA((2,)),
            pltpu.SemaphoreType.DMA((2,)),
        ],
    )(_gmf_body)
    return run(vidx, hidx, virus, human, vb, hb, w, b)


def kernel(v_idxs, h_idxs, virus, human, vb, hb, W, b):
    vidx = v_idxs.astype(jnp.int32).reshape(NW, NCHUNK, 1, CHUNK)
    hidx = h_idxs.astype(jnp.int32).reshape(NW, NCHUNK, 1, CHUNK)
    out = _gmf(vidx, hidx, virus, human, vb.reshape(1, -1), hb.reshape(1, -1),
               W.reshape(-1), b)
    return out.reshape(B, 1)

# --- scband reference (transcript-rebuilt; emitter-appended) ---
"""Pipeline reference for scband-gmf-8375186227670 (READ-ONLY COPY).

The authoritative reference and input builder live on the scoring server;
editing this copy changes nothing except your own understanding.
"""

import jax, jax.numpy as jnp
import numpy as np

NUM_VIRUS = 100000
NUM_HUMAN = 100000
LATENT_DIM = 128
BATCH = 16384

def setup_inputs(seed: int = 0) -> dict:
    key = jax.random.key(seed)
    k1, k2, k3, k4, k5, k6, k7, k8 = jax.random.split(key, 8)
    v_idxs = jax.random.randint(k1, (BATCH,), 0, NUM_VIRUS, dtype=jnp.int64 if jax.config.jax_enable_x64 else jnp.int32)
    h_idxs = jax.random.randint(k2, (BATCH,), 0, NUM_HUMAN, dtype=jnp.int64 if jax.config.jax_enable_x64 else jnp.int32)
    # embedding tables initialized ~ normal(-0.01, 0.01) per torch init
    virus = jax.random.normal(k3, (NUM_VIRUS, LATENT_DIM), dtype=jnp.float32) * 0.01 - 0.01
    human = jax.random.normal(k4, (NUM_HUMAN, LATENT_DIM), dtype=jnp.float32) * 0.01 - 0.01
    vb = jax.random.normal(k5, (NUM_VIRUS, 1), dtype=jnp.float32) * 0.01 - 0.01
    hb = jax.random.normal(k6, (NUM_HUMAN, 1), dtype=jnp.float32) * 0.01 - 0.01
    # affine output: weight [1, latent_dim] (uniform(-0.01, 0.01)), bias [1]
    W = jax.random.uniform(k7, (1, LATENT_DIM), dtype=jnp.float32, minval=-0.01, maxval=0.01)
    b = jax.random.uniform(k8, (1,), dtype=jnp.float32, minval=-0.01, maxval=0.01)
    return {"v_idxs": v_idxs, "h_idxs": h_idxs, "virus": virus, "human": human, "vb": vb, "hb": hb, "W": W, "b": b}

def reference(v_idxs, h_idxs, virus, human, vb, hb, W, b):
    U = jnp.take(virus, v_idxs, axis=0)          # [B, D]
    V = jnp.take(human, h_idxs, axis=0)          # [B, D]
    UV = U * V                                   # [B, D]
    UV = UV + jnp.take(vb, v_idxs, axis=0) + jnp.take(hb, h_idxs, axis=0)  # broadcast [B,1]
    out = UV @ W.T + b                           # [B, 1]
    return jax.nn.sigmoid(out)

if __name__ == "__main__":
    import jax
    _d = setup_inputs()
    print(jax.jit(kernel)(*tuple(_d.values())))

</pallas_src>

<mosaic_0001>
#map = affine_map<(d0, d1) -> (0, 0, 0, 0)>
#map1 = affine_map<(d0, d1) -> (0, 0)>
#map2 = affine_map<(d0, d1) -> (0)>
module attributes {stable_mosaic.version = 14 : i64} {
  func.func @_gmf_body(%arg0: i32, %arg1: i32, %arg2: memref<32x4x1x128xi32, #tpu.memory_space<hbm>>, %arg3: memref<32x4x1x128xi32, #tpu.memory_space<hbm>>, %arg4: memref<100000x128xf32, #tpu.memory_space<hbm>>, %arg5: memref<100000x128xf32, #tpu.memory_space<hbm>>, %arg6: memref<1x100000xf32, #tpu.memory_space<hbm>>, %arg7: memref<1x100000xf32, #tpu.memory_space<hbm>>, %arg8: memref<128xf32, #tpu.memory_space<hbm>>, %arg9: memref<1xf32, #tpu.memory_space<hbm>>, %arg10: memref<16384xf32, #tpu.memory_space<hbm>>, %arg11: memref<4x1x128xi32, #tpu.memory_space<vmem>>, %arg12: memref<4x1x128xi32, #tpu.memory_space<vmem>>, %arg13: memref<2x128x128xf32, #tpu.memory_space<vmem>>, %arg14: memref<2x128x128xf32, #tpu.memory_space<vmem>>, %arg15: memref<2x1x128xf32, #tpu.memory_space<vmem>>, %arg16: memref<2x1x128xf32, #tpu.memory_space<vmem>>, %arg17: memref<128xf32, #tpu.memory_space<vmem>>, %arg18: memref<16xf32, #tpu.memory_space<vmem>>, %arg19: memref<16xf32, #tpu.memory_space<vmem>>, %arg20: memref<128x16xf32, #tpu.memory_space<vmem>>, %arg21: memref<512xf32, #tpu.memory_space<vmem>>, %arg22: memref<2x!tpu.dma_semaphore, #tpu.memory_space<semaphore_mem>>, %arg23: memref<2x!tpu.dma_semaphore, #tpu.memory_space<semaphore_mem>>) attributes {dimension_semantics = [#tpu.dimension_semantics<core_parallel>, #tpu.dimension_semantics<subcore_parallel>], iteration_bounds = array<i64: 2, 16>, scalar_prefetch = 0 : i64, scratch_operands = 13 : i64, tpu.core_type = #tpu.core_type<sc_vector_subcore>, window_params = [{transform_indices = #map}, {transform_indices = #map}, {transform_indices = #map1}, {transform_indices = #map1}, {transform_indices = #map1}, {transform_indices = #map1}, {transform_indices = #map2}, {transform_indices = #map2}, {transform_indices = #map2}]} {
    %mul3A = arith.constant 2 : i32
    %mul3A_0 = arith.muli %arg1, %mul3A : i32
    %add3A = arith.addi %mul3A_0, %arg0 : i32
    %iota3A = tpu.iota {dimensions = array<i32: 0>} : vector<16xi32>
    %and3A = arith.constant 8 : i32
    %and3A_1 = vector.broadcast %and3A : i32 to vector<16xi32>
    %and3A_2 = arith.andi %iota3A, %and3A_1 : vector<16xi32>
    %eq3A = arith.constant 0 : i32
    %eq3A_3 = vector.broadcast %eq3A : i32 to vector<16xi32>
    %eq3A_4 = arith.cmpi eq, %and3A_2, %eq3A_3 : vector<16xi32>
    %and3A_5 = arith.constant 4 : i32
    %and3A_6 = vector.broadcast %and3A_5 : i32 to vector<16xi32>
    %and3A_7 = arith.andi %iota3A, %and3A_6 : vector<16xi32>
    %eq3A_8 = arith.constant 0 : i32
    %eq3A_9 = vector.broadcast %eq3A_8 : i32 to vector<16xi32>
    %eq3A_10 = arith.cmpi eq, %and3A_7, %eq3A_9 : vector<16xi32>
    %and3A_11 = arith.constant 2 : i32
    %and3A_12 = vector.broadcast %and3A_11 : i32 to vector<16xi32>
    %and3A_13 = arith.andi %iota3A, %and3A_12 : vector<16xi32>
    %eq3A_14 = arith.constant 0 : i32
    %eq3A_15 = vector.broadcast %eq3A_14 : i32 to vector<16xi32>
    %eq3A_16 = arith.cmpi eq, %and3A_13, %eq3A_15 : vector<16xi32>
    %and3A_17 = arith.constant 1 : i32
    %and3A_18 = vector.broadcast %and3A_17 : i32 to vector<16xi32>
    %and3A_19 = arith.andi %iota3A, %and3A_18 : vector<16xi32>
    %eq3A_20 = arith.constant 0 : i32
    %eq3A_21 = vector.broadcast %eq3A_20 : i32 to vector<16xi32>
    %eq3A_22 = arith.cmpi eq, %and3A_19, %eq3A_21 : vector<16xi32>
    %xor3A = arith.constant 8 : i32
    %xor3A_23 = vector.broadcast %xor3A : i32 to vector<16xi32>
    %xor3A_24 = arith.xori %iota3A, %xor3A_23 : vector<16xi32>
    %xor3A_25 = arith.constant 4 : i32
    %xor3A_26 = vector.broadcast %xor3A_25 : i32 to vector<16xi32>
    %xor3A_27 = arith.xori %iota3A, %xor3A_26 : vector<16xi32>
    %xor3A_28 = arith.constant 2 : i32
    %xor3A_29 = vector.broadcast %xor3A_28 : i32 to vector<16xi32>
    %xor3A_30 = arith.xori %iota3A, %xor3A_29 : vector<16xi32>
    %xor3A_31 = arith.constant 1 : i32
    %xor3A_32 = vector.broadcast %xor3A_31 : i32 to vector<16xi32>
    %xor3A_33 = arith.xori %iota3A, %xor3A_32 : vector<16xi32>
    %scan3A = arith.constant 0 : i32
    %scan3A_34 = arith.constant 0 : i32
    %scan3A_35 = arith.constant 4 : i32
    %scan3A_36 = arith.addi %scan3A_34, %scan3A_35 : i32
    %scan3A_37 = arith.constant 1 : i32
    scf.for %scan3A_41 = %scan3A_34 to %scan3A_36 step %scan3A_37  : i32 {
      %rem3A = arith.constant 2 : i32
      %rem3A_42 = arith.remsi %scan3A_41, %rem3A : i32
      %add3A_43 = arith.constant 1 : i32
      %add3A_44 = arith.addi %scan3A_41, %add3A_43 : i32
      %rem3A_45 = arith.constant 2 : i32
      %rem3A_46 = arith.remsi %add3A_44, %rem3A_45 : i32
      %eq3A_47 = arith.constant 0 : i32
      %eq3A_48 = arith.cmpi eq, %scan3A_41, %eq3A_47 : i32
      %convert_element_type3A = arith.extui %eq3A_48 : i1 to i32
      %cond3A = arith.constant 0 : i32
      %cond3A_49 = arith.cmpi ne, %convert_element_type3A, %cond3A : i32
      scf.if %cond3A_49 {
        %dma_start3A = arith.constant 0 : i32
        %dma_start3A_133 = arith.constant 0 : i32
        %dma_start3A_134 = arith.constant 0 : i32
        %dma_start3A_135 = arith.constant 0 : i32
        %dma_start3A_136 = tpu.memref_slice %arg2[%add3A, %dma_start3A_133, %dma_start3A_134, %dma_start3A_135] : memref<32x4x1x128xi32, #tpu.memory_space<hbm>> -> memref<1x4x1x128xi32, #tpu.memory_space<hbm>>
        %dma_start3A_137 = tpu.memref_squeeze %dma_start3A_136 : memref<1x4x1x128xi32, #tpu.memory_space<hbm>> -> memref<4x1x128xi32, #tpu.memory_space<hbm>>
        %dma_start3A_138 = tpu.memref_slice %arg22[%dma_start3A] : memref<2x!tpu.dma_semaphore, #tpu.memory_space<semaphore_mem>> -> memref<1x!tpu.dma_semaphore, #tpu.memory_space<semaphore_mem>>
        %dma_start3A_139 = tpu.memref_squeeze %dma_start3A_138 : memref<1x!tpu.dma_semaphore, #tpu.memory_space<semaphore_mem>> -> memref<!tpu.dma_semaphore, #tpu.memory_space<semaphore_mem>>
        %dma_start3A_140 = arith.constant 0 : i32
        %dma_start3A_141 = arith.constant 0 : i32
        %dma_start3A_142 = arith.constant 0 : i32
        %dma_start3A_143 = tpu.memref_slice %arg2[%add3A, %dma_start3A_140, %dma_start3A_141, %dma_start3A_142] : memref<32x4x1x128xi32, #tpu.memory_space<hbm>> -> memref<1x4x1x128xi32, #tpu.memory_space<hbm>>
        %dma_start3A_144 = tpu.memref_squeeze %dma_start3A_143 : memref<1x4x1x128xi32, #tpu.memory_space<hbm>> -> memref<4x1x128xi32, #tpu.memory_space<hbm>>
        tpu.enqueue_dma source(%dma_start3A_144 : memref<4x1x128xi32, #tpu.memory_space<hbm>>) target(%arg11 : memref<4x1x128xi32, #tpu.memory_space<vmem>>) target_semaphore(%dma_start3A_139 : memref<!tpu.dma_semaphore, #tpu.memory_space<semaphore_mem>>)
        %dma_start3A_145 = arith.constant 0 : i32
        %dma_start3A_146 = arith.constant 0 : i32
        %dma_start3A_147 = arith.constant 0 : i32
        %dma_start3A_148 = arith.constant 0 : i32
        %dma_start3A_149 = tpu.memref_slice %arg3[%add3A, %dma_start3A_146, %dma_start3A_147, %dma_start3A_148] : memref<32x4x1x128xi32, #tpu.memory_space<hbm>> -> memref<1x4x1x128xi32, #tpu.memory_space<hbm>>
        %dma_start3A_150 = tpu.memref_squeeze %dma_start3A_149 : memref<1x4x1x128xi32, #tpu.memory_space<hbm>> -> memref<4x1x128xi32, #tpu.memory_space<hbm>>
        %dma_start3A_151 = tpu.memref_slice %arg22[%dma_start3A_145] : memref<2x!tpu.dma_semaphore, #tpu.memory_space<semaphore_mem>> -> memref<1x!tpu.dma_semaphore, #tpu.memory_space<semaphore_mem>>
        %dma_start3A_152 = tpu.memref_squeeze %dma_start3A_151 : memref<1x!tpu.dma_semaphore, #tpu.memory_space<semaphore_mem>> -> memref<!tpu.dma_semaphore, #tpu.memory_space<semaphore_mem>>
        %dma_start3A_153 = arith.constant 0 : i32
        %dma_start3A_154 = arith.constant 0 : i32
        %dma_start3A_155 = arith.constant 0 : i32
        %dma_start3A_156 = tpu.memref_slice %arg3[%add3A, %dma_start3A_153, %dma_start3A_154, %dma_start3A_155] : memref<32x4x1x128xi32, #tpu.memory_space<hbm>> -> memref<1x4x1x128xi32, #tpu.memory_space<hbm>>
        %dma_start3A_157 = tpu.memref_squeeze %dma_start3A_156 : memref<1x4x1x128xi32, #tpu.memory_space<hbm>> -> memref<4x1x128xi32, #tpu.memory_space<hbm>>
        tpu.enqueue_dma source(%dma_start3A_157 : memref<4x1x128xi32, #tpu.memory_space<hbm>>) target(%arg12 : memref<4x1x128xi32, #tpu.memory_space<vmem>>) target_semaphore(%dma_start3A_152 : memref<!tpu.dma_semaphore, #tpu.memory_space<semaphore_mem>>)
        %dma_start3A_158 = arith.constant 0 : i32
        %dma_start3A_159 = tpu.memref_slice %arg22[%dma_start3A_158] : memref<2x!tpu.dma_semaphore, #tpu.memory_space<semaphore_mem>> -> memref<1x!tpu.dma_semaphore, #tpu.memory_space<semaphore_mem>>
        %dma_start3A_160 = tpu.memref_squeeze %dma_start3A_159 : memref<1x!tpu.dma_semaphore, #tpu.memory_space<semaphore_mem>> -> memref<!tpu.dma_semaphore, #tpu.memory_space<semaphore_mem>>
        tpu.enqueue_dma source(%arg8 : memref<128xf32, #tpu.memory_space<hbm>>) target(%arg17 : memref<128xf32, #tpu.memory_space<vmem>>) target_semaphore(%dma_start3A_160 : memref<!tpu.dma_semaphore, #tpu.memory_space<semaphore_mem>>)
        %dma_start3A_161 = arith.constant 0 : i32
        %dma_start3A_162 = arith.constant 0 : i32
        %dma_start3A_163 = tpu.memref_slice %arg18[%dma_start3A_162] : memref<16xf32, #tpu.memory_space<vmem>> -> memref<1xf32, #tpu.memory_space<vmem>>
        %dma_start3A_164 = tpu.memref_slice %arg22[%dma_start3A_161] : memref<2x!tpu.dma_semaphore, #tpu.memory_space<semaphore_mem>> -> memref<1x!tpu.dma_semaphore, #tpu.memory_space<semaphore_mem>>
        %dma_start3A_165 = tpu.memref_squeeze %dma_start3A_164 : memref<1x!tpu.dma_semaphore, #tpu.memory_space<semaphore_mem>> -> memref<!tpu.dma_semaphore, #tpu.memory_space<semaphore_mem>>
        %dma_start3A_166 = arith.constant 0 : i32
        %dma_start3A_167 = tpu.memref_slice %arg18[%dma_start3A_166] : memref<16xf32, #tpu.memory_space<vmem>> -> memref<1xf32, #tpu.memory_space<vmem>>
        tpu.enqueue_dma source(%arg9 : memref<1xf32, #tpu.memory_space<hbm>>) target(%dma_start3A_167 : memref<1xf32, #tpu.memory_space<vmem>>) target_semaphore(%dma_start3A_165 : memref<!tpu.dma_semaphore, #tpu.memory_space<semaphore_mem>>)
        %dma_wait3A_168 = arith.constant 0 : i32
        %dma_wait3A_169 = arith.constant 0 : i32
        %dma_wait3A_170 = arith.constant 0 : i32
        %dma_wait3A_171 = arith.constant 0 : i32
        %dma_wait3A_172 = tpu.memref_slice %arg2[%add3A, %dma_wait3A_169, %dma_wait3A_170, %dma_wait3A_171] : memref<32x4x1x128xi32, #tpu.memory_space<hbm>> -> memref<1x4x1x128xi32, #tpu.memory_space<hbm>>
        %dma_wait3A_173 = tpu.memref_squeeze %dma_wait3A_172 : memref<1x4x1x128xi32, #tpu.memory_space<hbm>> -> memref<4x1x128xi32, #tpu.memory_space<hbm>>
        %dma_wait3A_174 = tpu.memref_slice %arg22[%dma_wait3A_168] : memref<2x!tpu.dma_semaphore, #tpu.memory_space<semaphore_mem>> -> memref<1x!tpu.dma_semaphore, #tpu.memory_space<semaphore_mem>>
        %dma_wait3A_175 = tpu.memref_squeeze %dma_wait3A_174 : memref<1x!tpu.dma_semaphore, #tpu.memory_space<semaphore_mem>> -> memref<!tpu.dma_semaphore, #tpu.memory_space<semaphore_mem>>
        %dma_wait3A_176 = arith.constant 0 : i32
        %dma_wait3A_177 = arith.constant 0 : i32
        %dma_wait3A_178 = arith.constant 0 : i32
        %dma_wait3A_179 = tpu.memref_slice %arg2[%add3A, %dma_wait3A_176, %dma_wait3A_177, %dma_wait3A_178] : memref<32x4x1x128xi32, #tpu.memory_space<hbm>> -> memref<1x4x1x128xi32, #tpu.memory_space<hbm>>
        %dma_wait3A_180 = tpu.memref_squeeze %dma_wait3A_179 : memref<1x4x1x128xi32, #tpu.memory_space<hbm>> -> memref<4x1x128xi32, #tpu.memory_space<hbm>>
        tpu.wait_dma2 semaphore(%dma_wait3A_175 : memref<!tpu.dma_semaphore, #tpu.memory_space<semaphore_mem>>) src(%dma_wait3A_180 : memref<4x1x128xi32, #tpu.memory_space<hbm>>) dst(%arg11 : memref<4x1x128xi32, #tpu.memory_space<vmem>>)
        %dma_wait3A_181 = arith.constant 0 : i32
        %dma_wait3A_182 = arith.constant 0 : i32
        %dma_wait3A_183 = arith.constant 0 : i32
        %dma_wait3A_184 = arith.constant 0 : i32
        %dma_wait3A_185 = tpu.memref_slice %arg3[%add3A, %dma_wait3A_182, %dma_wait3A_183, %dma_wait3A_184] : memref<32x4x1x128xi32, #tpu.memory_space<hbm>> -> memref<1x4x1x128xi32, #tpu.memory_space<hbm>>
        %dma_wait3A_186 = tpu.memref_squeeze %dma_wait3A_185 : memref<1x4x1x128xi32, #tpu.memory_space<hbm>> -> memref<4x1x128xi32, #tpu.memory_space<hbm>>
        %dma_wait3A_187 = tpu.memref_slice %arg22[%dma_wait3A_181] : memref<2x!tpu.dma_semaphore, #tpu.memory_space<semaphore_mem>> -> memref<1x!tpu.dma_semaphore, #tpu.memory_space<semaphore_mem>>
        %dma_wait3A_188 = tpu.memref_squeeze %dma_wait3A_187 : memref<1x!tpu.dma_semaphore, #tpu.memory_space<semaphore_mem>> -> memref<!tpu.dma_semaphore, #tpu.memory_space<semaphore_mem>>
        %dma_wait3A_189 = arith.constant 0 : i32
        %dma_wait3A_190 = arith.constant 0 : i32
        %dma_wait3A_191 = arith.constant 0 : i32
        %dma_wait3A_192 = tpu.memref_slice %arg3[%add3A, %dma_wait3A_189, %dma_wait3A_190, %dma_wait3A_191] : memref<32x4x1x128xi32, #tpu.memory_space<hbm>> -> memref<1x4x1x128xi32, #tpu.memory_space<hbm>>
        %dma_wait3A_193 = tpu.memref_squeeze %dma_wait3A_192 : memref<1x4x1x128xi32, #tpu.memory_space<hbm>> -> memref<4x1x128xi32, #tpu.memory_space<hbm>>
        tpu.wait_dma2 semaphore(%dma_wait3A_188 : memref<!tpu.dma_semaphore, #tpu.memory_space<semaphore_mem>>) src(%dma_wait3A_193 : memref<4x1x128xi32, #tpu.memory_space<hbm>>) dst(%arg12 : memref<4x1x128xi32, #tpu.memory_space<vmem>>)
        %dma_wait3A_194 = arith.constant 0 : i32
        %dma_wait3A_195 = tpu.memref_slice %arg22[%dma_wait3A_194] : memref<2x!tpu.dma_semaphore, #tpu.memory_space<semaphore_mem>> -> memref<1x!tpu.dma_semaphore, #tpu.memory_space<semaphore_mem>>
        %dma_wait3A_196 = tpu.memref_squeeze %dma_wait3A_195 : memref<1x!tpu.dma_semaphore, #tpu.memory_space<semaphore_mem>> -> memref<!tpu.dma_semaphore, #tpu.memory_space<semaphore_mem>>
        tpu.wait_dma2 semaphore(%dma_wait3A_196 : memref<!tpu.dma_semaphore, #tpu.memory_space<semaphore_mem>>) src(%arg8 : memref<128xf32, #tpu.memory_space<hbm>>) dst(%arg17 : memref<128xf32, #tpu.memory_space<vmem>>)
        %dma_wait3A_197 = arith.constant 0 : i32
        %dma_wait3A_198 = arith.constant 0 : i32
        %dma_wait3A_199 = tpu.memref_slice %arg18[%dma_wait3A_198] : memref<16xf32, #tpu.memory_space<vmem>> -> memref<1xf32, #tpu.memory_space<vmem>>
        %dma_wait3A_200 = tpu.memref_slice %arg22[%dma_wait3A_197] : memref<2x!tpu.dma_semaphore, #tpu.memory_space<semaphore_mem>> -> memref<1x!tpu.dma_semaphore, #tpu.memory_space<semaphore_mem>>
        %dma_wait3A_201 = tpu.memref_squeeze %dma_wait3A_200 : memref<1x!tpu.dma_semaphore, #tpu.memory_space<semaphore_mem>> -> memref<!tpu.dma_semaphore, #tpu.memory_space<semaphore_mem>>
        %dma_wait3A_202 = arith.constant 0 : i32
        %dma_wait3A_203 = tpu.memref_slice %arg18[%dma_wait3A_202] : memref<16xf32, #tpu.memory_space<vmem>> -> memref<1xf32, #tpu.memory_space<vmem>>
        tpu.wait_dma2 semaphore(%dma_wait3A_201 : memref<!tpu.dma_semaphore, #tpu.memory_space<semaphore_mem>>) src(%arg9 : memref<1xf32, #tpu.memory_space<hbm>>) dst(%dma_wait3A_203 : memref<1xf32, #tpu.memory_space<vmem>>)
        %dma_start3A_204 = arith.constant 0 : i32
        %dma_start3A_205 = arith.constant 0 : i32
        %dma_start3A_206 = arith.constant 0 : i32
        %dma_start3A_207 = arith.constant 0 : i32
        %dma_start3A_208 = arith.constant 0 : i32
        %dma_start3A_209 = arith.constant 0 : i32
        %dma_start3A_210 = tpu.memref_slice %arg13[%dma_start3A_206, %dma_start3A_208, %dma_start3A_209] : memref<2x128x128xf32, #tpu.memory_space<vmem>> -> memref<1x128x128xf32, #tpu.memory_space<vmem>>
        %dma_start3A_211 = tpu.memref_squeeze %dma_start3A_210 : memref<1x128x128xf32, #tpu.memory_space<vmem>> -> memref<128x128xf32, #tpu.memory_space<vmem>>
        %dma_start3A_212 = arith.constant 0 : i32
        %dma_start3A_213 = tpu.memref_slice %arg11[%dma_start3A_204, %dma_start3A_205, %dma_start3A_212] : memref<4x1x128xi32, #tpu.memory_space<vmem>> -> memref<1x1x128xi32, #tpu.memory_space<vmem>>
        %dma_start3A_214 = tpu.memref_squeeze %dma_start3A_213 : memref<1x1x128xi32, #tpu.memory_space<vmem>> -> memref<128xi32, #tpu.memory_space<vmem>>
        %dma_start3A_215 = arith.constant 0 : i32
        %dma_start3A_216 = arith.constant 0 : i32
        %dma_start3A_217 = tpu.memref_slice %arg4[%dma_start3A_215, %dma_start3A_216] : memref<100000x128xf32, #tpu.memory_space<hbm>> -> memref<100000x128xf32, #tpu.memory_space<hbm>>
        %dma_start3A_218 = tpu.memref_slice %arg22[%dma_start3A_207] : memref<2x!tpu.dma_semaphore, #tpu.memory_space<semaphore_mem>> -> memref<1x!tpu.dma_semaphore, #tpu.memory_space<semaphore_mem>>
        %dma_start3A_219 = tpu.memref_squeeze %dma_start3A_218 : memref<1x!tpu.dma_semaphore, #tpu.memory_space<semaphore_mem>> -> memref<!tpu.dma_semaphore, #tpu.memory_space<semaphore_mem>>
        tpu.enqueue_indirect_dma source(%dma_start3A_217 : memref<100000x128xf32, #tpu.memory_space<hbm>>) target(%dma_start3A_211 : memref<128x128xf32, #tpu.memory_space<vmem>>) offsets(%dma_start3A_214 : memref<128xi32, #tpu.memory_space<vmem>>) semaphore(%dma_start3A_219 : memref<!tpu.dma_semaphore, #tpu.memory_space<semaphore_mem>>)
        %dma_start3A_220 = arith.constant 0 : i32
        %dma_start3A_221 = arith.constant 0 : i32
        %dma_start3A_222 = arith.constant 0 : i32
        %dma_start3A_223 = arith.constant 0 : i32
        %dma_start3A_224 = arith.constant 0 : i32
        %dma_start3A_225 = arith.constant 0 : i32
        %dma_start3A_226 = tpu.memref_slice %arg14[%dma_start3A_222, %dma_start3A_224, %dma_start3A_225] : memref<2x128x128xf32, #tpu.memory_space<vmem>> -> memref<1x128x128xf32, #tpu.memory_space<vmem>>
        %dma_start3A_227 = tpu.memref_squeeze %dma_start3A_226 : memref<1x128x128xf32, #tpu.memory_space<vmem>> -> memref<128x128xf32, #tpu.memory_space<vmem>>
        %dma_start3A_228 = arith.constant 0 : i32
        %dma_start3A_229 = tpu.memref_slice %arg12[%dma_start3A_220, %dma_start3A_221, %dma_start3A_228] : memref<4x1x128xi32, #tpu.memory_space<vmem>> -> memref<1x1x128xi32, #tpu.memory_space<vmem>>
        %dma_start3A_230 = tpu.memref_squeeze %dma_start3A_229 : memref<1x1x128xi32, #tpu.memory_space<vmem>> -> memref<128xi32, #tpu.memory_space<vmem>>
        %dma_start3A_231 = arith.constant 0 : i32
        %dma_start3A_232 = arith.constant 0 : i32
        %dma_start3A_233 = tpu.memref_slice %arg5[%dma_start3A_231, %dma_start3A_232] : memref<100000x128xf32, #tpu.memory_space<hbm>> -> memref<100000x128xf32, #tpu.memory_space<hbm>>
        %dma_start3A_234 = tpu.memref_slice %arg22[%dma_start3A_223] : memref<2x!tpu.dma_semaphore, #tpu.memory_space<semaphore_mem>> -> memref<1x!tpu.dma_semaphore, #tpu.memory_space<semaphore_mem>>
        %dma_start3A_235 = tpu.memref_squeeze %dma_start3A_234 : memref<1x!tpu.dma_semaphore, #tpu.memory_space<semaphore_mem>> -> memref<!tpu.dma_semaphore, #tpu.memory_space<semaphore_mem>>
        tpu.enqueue_indirect_dma source(%dma_start3A_233 : memref<100000x128xf32, #tpu.memory_space<hbm>>) target(%dma_start3A_227 : memref<128x128xf32, #tpu.memory_space<vmem>>) offsets(%dma_start3A_230 : memref<128xi32, #tpu.memory_space<vmem>>) semaphore(%dma_start3A_235 : memref<!tpu.dma_semaphore, #tpu.memory_space<semaphore_mem>>)
        %dma_start3A_236 = arith.constant 0 : i32
        %dma_start3A_237 = arith.constant 0 : i32
        %dma_start3A_238 = arith.constant 0 : i32
        %dma_start3A_239 = arith.constant 0 : i32
        %dma_start3A_240 = arith.constant 0 : i32
        %dma_start3A_241 = tpu.memref_slice %arg15[%dma_start3A_237, %dma_start3A_239, %dma_start3A_240] : memref<2x1x128xf32, #tpu.memory_space<vmem>> -> memref<1x1x128xf32, #tpu.memory_space<vmem>>
        %dma_start3A_242 = tpu.memref_squeeze %dma_start3A_241 : memref<1x1x128xf32, #tpu.memory_space<vmem>> -> memref<1x128xf32, #tpu.memory_space<vmem>>
        %dma_start3A_243 = arith.constant 0 : i32
        %dma_start3A_244 = arith.constant 0 : i32
        %dma_start3A_245 = tpu.memref_slice %arg11[%dma_start3A_236, %dma_start3A_243, %dma_start3A_244] : memref<4x1x128xi32, #tpu.memory_space<vmem>> -> memref<1x1x128xi32, #tpu.memory_space<vmem>>
        %dma_start3A_246 = tpu.memref_squeeze %dma_start3A_245 : memref<1x1x128xi32, #tpu.memory_space<vmem>> -> memref<1x128xi32, #tpu.memory_space<vmem>>
        %dma_start3A_247 = arith.constant 0 : i32
        %dma_start3A_248 = arith.constant 0 : i32
        %dma_start3A_249 = tpu.memref_slice %arg6[%dma_start3A_247, %dma_start3A_248] : memref<1x100000xf32, #tpu.memory_space<hbm>> -> memref<1x100000xf32, #tpu.memory_space<hbm>>
        %dma_start3A_250 = tpu.memref_slice %arg23[%dma_start3A_238] : memref<2x!tpu.dma_semaphore, #tpu.memory_space<semaphore_mem>> -> memref<1x!tpu.dma_semaphore, #tpu.memory_space<semaphore_mem>>
        %dma_start3A_251 = tpu.memref_squeeze %dma_start3A_250 : memref<1x!tpu.dma_semaphore, #tpu.memory_space<semaphore_mem>> -> memref<!tpu.dma_semaphore, #tpu.memory_space<semaphore_mem>>
        tpu.enqueue_indirect_dma source(%dma_start3A_249 : memref<1x100000xf32, #tpu.memory_space<hbm>>) target(%dma_start3A_242 : memref<1x128xf32, #tpu.memory_space<vmem>>) offsets(%dma_start3A_246 : memref<1x128xi32, #tpu.memory_space<vmem>>) semaphore(%dma_start3A_251 : memref<!tpu.dma_semaphore, #tpu.memory_space<semaphore_mem>>)
        %dma_start3A_252 = arith.constant 0 : i32
        %dma_start3A_253 = arith.constant 0 : i32
        %dma_start3A_254 = arith.constant 0 : i32
        %dma_start3A_255 = arith.constant 0 : i32
        %dma_start3A_256 = arith.constant 0 : i32
        %dma_start3A_257 = tpu.memref_slice %arg16[%dma_start3A_253, %dma_start3A_255, %dma_start3A_256] : memref<2x1x128xf32, #tpu.memory_space<vmem>> -> memref<1x1x128xf32, #tpu.memory_space<vmem>>
        %dma_start3A_258 = tpu.memref_squeeze %dma_start3A_257 : memref<1x1x128xf32, #tpu.memory_space<vmem>> -> memref<1x128xf32, #tpu.memory_space<vmem>>
        %dma_start3A_259 = arith.constant 0 : i32
        %dma_start3A_260 = arith.constant 0 : i32
        %dma_start3A_261 = tpu.memref_slice %arg12[%dma_start3A_252, %dma_start3A_259, %dma_start3A_260] : memref<4x1x128xi32, #tpu.memory_space<vmem>> -> memref<1x1x128xi32, #tpu.memory_space<vmem>>
        %dma_start3A_262 = tpu.memref_squeeze %dma_start3A_261 : memref<1x1x128xi32, #tpu.memory_space<vmem>> -> memref<1x128xi32, #tpu.memory_space<vmem>>
        %dma_start3A_263 = arith.constant 0 : i32
        %dma_start3A_264 = arith.constant 0 : i32
        %dma_start3A_265 = tpu.memref_slice %arg7[%dma_start3A_263, %dma_start3A_264] : memref<1x100000xf32, #tpu.memory_space<hbm>> -> memref<1x100000xf32, #tpu.memory_space<hbm>>
        %dma_start3A_266 = tpu.memref_slice %arg23[%dma_start3A_254] : memref<2x!tpu.dma_semaphore, #tpu.memory_space<semaphore_mem>> -> memref<1x!tpu.dma_semaphore, #tpu.memory_space<semaphore_mem>>
        %dma_start3A_267 = tpu.memref_squeeze %dma_start3A_266 : memref<1x!tpu.dma_semaphore, #tpu.memory_space<semaphore_mem>> -> memref<!tpu.dma_semaphore, #tpu.memory_space<semaphore_mem>>
        tpu.enqueue_indirect_dma source(%dma_start3A_265 : memref<1x100000xf32, #tpu.memory_space<hbm>>) target(%dma_start3A_258 : memref<1x128xf32, #tpu.memory_space<vmem>>) offsets(%dma_start3A_262 : memref<1x128xi32, #tpu.memory_space<vmem>>) semaphore(%dma_start3A_267 : memref<!tpu.dma_semaphore, #tpu.memory_space<semaphore_mem>>)
        %get3A_268 = arith.constant 0 : index
        %get3A_269 = tpu.vector_load %arg17[%get3A_268] {strides = array<i32>} : memref<128xf32, #tpu.memory_space<vmem>>, vector<16xf32>,
        %get3A_270 = vector.shape_cast %get3A_269 : vector<16xf32> to vector<16xf32>
        %get3A_271 = arith.constant 16 : index
        %get3A_272 = tpu.vector_load %arg17[%get3A_271] {strides = array<i32>} : memref<128xf32, #tpu.memory_space<vmem>>, vector<16xf32>,
        %get3A_273 = vector.shape_cast %get3A_272 : vector<16xf32> to vector<16xf32>
        %add3A_274 = arith.addf %get3A_270, %get3A_273 : vector<16xf32>
        %get3A_275 = arith.constant 32 : index
        %get3A_276 = tpu.vector_load %arg17[%get3A_275] {strides = array<i32>} : memref<128xf32, #tpu.memory_space<vmem>>, vector<16xf32>,
        %get3A_277 = vector.shape_cast %get3A_276 : vector<16xf32> to vector<16xf32>
        %add3A_278 = arith.addf %add3A_274, %get3A_277 : vector<16xf32>
        %get3A_279 = arith.constant 48 : index
        %get3A_280 = tpu.vector_load %arg17[%get3A_279] {strides = array<i32>} : memref<128xf32, #tpu.memory_space<vmem>>, vector<16xf32>,
        %get3A_281 = vector.shape_cast %get3A_280 : vector<16xf32> to vector<16xf32>
        %add3A_282 = arith.addf %add3A_278, %get3A_281 : vector<16xf32>
        %get3A_283 = arith.constant 64 : index
        %get3A_284 = tpu.vector_load %arg17[%get3A_283] {strides = array<i32>} : memref<128xf32, #tpu.memory_space<vmem>>, vector<16xf32>,
        %get3A_285 = vector.shape_cast %get3A_284 : vector<16xf32> to vector<16xf32>
        %add3A_286 = arith.addf %add3A_282, %get3A_285 : vector<16xf32>
        %get3A_287 = arith.constant 80 : index
        %get3A_288 = tpu.vector_load %arg17[%get3A_287] {strides = array<i32>} : memref<128xf32, #tpu.memory_space<vmem>>, vector<16xf32>,
        %get3A_289 = vector.shape_cast %get3A_288 : vector<16xf32> to vector<16xf32>
        %add3A_290 = arith.addf %add3A_286, %get3A_289 : vector<16xf32>
        %get3A_291 = arith.constant 96 : index
        %get3A_292 = tpu.vector_load %arg17[%get3A_291] {strides = array<i32>} : memref<128xf32, #tpu.memory_space<vmem>>, vector<16xf32>,
        %get3A_293 = vector.shape_cast %get3A_292 : vector<16xf32> to vector<16xf32>
        %add3A_294 = arith.addf %add3A_290, %get3A_293 : vector<16xf32>
        %get3A_295 = arith.constant 112 : index
        %get3A_296 = tpu.vector_load %arg17[%get3A_295] {strides = array<i32>} : memref<128xf32, #tpu.memory_space<vmem>>, vector<16xf32>,
        %get3A_297 = vector.shape_cast %get3A_296 : vector<16xf32> to vector<16xf32>
        %add3A_298 = arith.addf %add3A_294, %get3A_297 : vector<16xf32>
        %eq3A_299 = arith.constant 0 : i32
        %eq3A_300 = vector.broadcast %eq3A_299 : i32 to vector<16xi32>
        %eq3A_301 = arith.cmpi eq, %iota3A, %eq3A_300 : vector<16xi32>
        %get3A_302 = arith.constant 0 : index
        %get3A_303 = tpu.vector_load %arg18[%get3A_302] {strides = array<i32>} : memref<16xf32, #tpu.memory_space<vmem>>, vector<16xf32>,
        %get3A_304 = vector.shape_cast %get3A_303 : vector<16xf32> to vector<16xf32>
        %jit3A = arith.constant 0.000000e+00 : f32
        %broadcast_in_dim3A = vector.broadcast %jit3A : f32 to vector<16xf32>
        %select_n3A = arith.select %eq3A_301, %get3A_304, %broadcast_in_dim3A : vector<16xi1>, vector<16xf32>
        %xor3A_305 = arith.constant 1 : i32
        %xor3A_306 = vector.broadcast %xor3A_305 : i32 to vector<16xi32>
        %xor3A_307 = arith.xori %iota3A, %xor3A_306 : vector<16xi32>
        %lt3A_308 = arith.constant 0 : i32
        %lt3A_309 = vector.broadcast %lt3A_308 : i32 to vector<16xi32>
        %lt3A_310 = arith.cmpi slt, %xor3A_307, %lt3A_309 : vector<16xi32>
        %add3A_311 = arith.constant 16 : i32
        %add3A_312 = vector.broadcast %add3A_311 : i32 to vector<16xi32>
        %add3A_313 = arith.addi %xor3A_307, %add3A_312 : vector<16xi32>
        %select_n3A_314 = arith.select %lt3A_310, %add3A_313, %xor3A_307 : vector<16xi1>, vector<16xi32>
        %broadcast_in_dim3A_315 = vector.shape_cast %select_n3A_314 : vector<16xi32> to vector<16x1xi32>
        %gather3A = vector.shape_cast %broadcast_in_dim3A_315 : vector<16x1xi32> to vector<16xi32>
        %gather3A_316 = tpu.dynamic_gather %select_n3A[%gather3A] in [0] : vector<16xf32>, vector<16xi32> -> vector<16xf32>
        %add3A_317 = arith.addf %select_n3A, %gather3A_316 : vector<16xf32>
        %xor3A_318 = arith.constant 2 : i32
        %xor3A_319 = vector.broadcast %xor3A_318 : i32 to vector<16xi32>
        %xor3A_320 = arith.xori %iota3A, %xor3A_319 : vector<16xi32>
        %lt3A_321 = arith.constant 0 : i32
        %lt3A_322 = vector.broadcast %lt3A_321 : i32 to vector<16xi32>
        %lt3A_323 = arith.cmpi slt, %xor3A_320, %lt3A_322 : vector<16xi32>
        %add3A_324 = arith.constant 16 : i32
        %add3A_325 = vector.broadcast %add3A_324 : i32 to vector<16xi32>
        %add3A_326 = arith.addi %xor3A_320, %add3A_325 : vector<16xi32>
        %select_n3A_327 = arith.select %lt3A_323, %add3A_326, %xor3A_320 : vector<16xi1>, vector<16xi32>
        %broadcast_in_dim3A_328 = vector.shape_cast %select_n3A_327 : vector<16xi32> to vector<16x1xi32>
        %gather3A_329 = vector.shape_cast %broadcast_in_dim3A_328 : vector<16x1xi32> to vector<16xi32>
        %gather3A_330 = tpu.dynamic_gather %add3A_317[%gather3A_329] in [0] : vector<16xf32>, vector<16xi32> -> vector<16xf32>
        %add3A_331 = arith.addf %add3A_317, %gather3A_330 : vector<16xf32>
        %xor3A_332 = arith.constant 4 : i32
        %xor3A_333 = vector.broadcast %xor3A_332 : i32 to vector<16xi32>
        %xor3A_334 = arith.xori %iota3A, %xor3A_333 : vector<16xi32>
        %lt3A_335 = arith.constant 0 : i32
        %lt3A_336 = vector.broadcast %lt3A_335 : i32 to vector<16xi32>
        %lt3A_337 = arith.cmpi slt, %xor3A_334, %lt3A_336 : vector<16xi32>
        %add3A_338 = arith.constant 16 : i32
        %add3A_339 = vector.broadcast %add3A_338 : i32 to vector<16xi32>
        %add3A_340 = arith.addi %xor3A_334, %add3A_339 : vector<16xi32>
        %select_n3A_341 = arith.select %lt3A_337, %add3A_340, %xor3A_334 : vector<16xi1>, vector<16xi32>
        %broadcast_in_dim3A_342 = vector.shape_cast %select_n3A_341 : vector<16xi32> to vector<16x1xi32>
        %gather3A_343 = vector.shape_cast %broadcast_in_dim3A_342 : vector<16x1xi32> to vector<16xi32>
        %gather3A_344 = tpu.dynamic_gather %add3A_331[%gather3A_343] in [0] : vector<16xf32>, vector<16xi32> -> vector<16xf32>
        %add3A_345 = arith.addf %add3A_331, %gather3A_344 : vector<16xf32>
        %xor3A_346 = arith.constant 8 : i32
        %xor3A_347 = vector.broadcast %xor3A_346 : i32 to vector<16xi32>
        %xor3A_348 = arith.xori %iota3A, %xor3A_347 : vector<16xi32>
        %lt3A_349 = arith.constant 0 : i32
        %lt3A_350 = vector.broadcast %lt3A_349 : i32 to vector<16xi32>
        %lt3A_351 = arith.cmpi slt, %xor3A_348, %lt3A_350 : vector<16xi32>
        %add3A_352 = arith.constant 16 : i32
        %add3A_353 = vector.broadcast %add3A_352 : i32 to vector<16xi32>
        %add3A_354 = arith.addi %xor3A_348, %add3A_353 : vector<16xi32>
        %select_n3A_355 = arith.select %lt3A_351, %add3A_354, %xor3A_348 : vector<16xi1>, vector<16xi32>
        %broadcast_in_dim3A_356 = vector.shape_cast %select_n3A_355 : vector<16xi32> to vector<16x1xi32>
        %gather3A_357 = vector.shape_cast %broadcast_in_dim3A_356 : vector<16x1xi32> to vector<16xi32>
        %gather3A_358 = tpu.dynamic_gather %add3A_345[%gather3A_357] in [0] : vector<16xf32>, vector<16xi32> -> vector<16xf32>
        %add3A_359 = arith.addf %add3A_345, %gather3A_358 : vector<16xf32>
        %xor3A_360 = arith.constant 1 : i32
        %xor3A_361 = vector.broadcast %xor3A_360 : i32 to vector<16xi32>
        %xor3A_362 = arith.xori %iota3A, %xor3A_361 : vector<16xi32>
        %lt3A_363 = arith.constant 0 : i32
        %lt3A_364 = vector.broadcast %lt3A_363 : i32 to vector<16xi32>
        %lt3A_365 = arith.cmpi slt, %xor3A_362, %lt3A_364 : vector<16xi32>
        %add3A_366 = arith.constant 16 : i32
        %add3A_367 = vector.broadcast %add3A_366 : i32 to vector<16xi32>
        %add3A_368 = arith.addi %xor3A_362, %add3A_367 : vector<16xi32>
        %select_n3A_369 = arith.select %lt3A_365, %add3A_368, %xor3A_362 : vector<16xi1>, vector<16xi32>
        %broadcast_in_dim3A_370 = vector.shape_cast %select_n3A_369 : vector<16xi32> to vector<16x1xi32>
        %gather3A_371 = vector.shape_cast %broadcast_in_dim3A_370 : vector<16x1xi32> to vector<16xi32>
        %gather3A_372 = tpu.dynamic_gather %add3A_298[%gather3A_371] in [0] : vector<16xf32>, vector<16xi32> -> vector<16xf32>
        %add3A_373 = arith.addf %add3A_298, %gather3A_372 : vector<16xf32>
        %xor3A_374 = arith.constant 2 : i32
        %xor3A_375 = vector.broadcast %xor3A_374 : i32 to vector<16xi32>
        %xor3A_376 = arith.xori %iota3A, %xor3A_375 : vector<16xi32>
        %lt3A_377 = arith.constant 0 : i32
        %lt3A_378 = vector.broadcast %lt3A_377 : i32 to vector<16xi32>
        %lt3A_379 = arith.cmpi slt, %xor3A_376, %lt3A_378 : vector<16xi32>
        %add3A_380 = arith.constant 16 : i32
        %add3A_381 = vector.broadcast %add3A_380 : i32 to vector<16xi32>
        %add3A_382 = arith.addi %xor3A_376, %add3A_381 : vector<16xi32>
        %select_n3A_383 = arith.select %lt3A_379, %add3A_382, %xor3A_376 : vector<16xi1>, vector<16xi32>
        %broadcast_in_dim3A_384 = vector.shape_cast %select_n3A_383 : vector<16xi32> to vector<16x1xi32>
        %gather3A_385 = vector.shape_cast %broadcast_in_dim3A_384 : vector<16x1xi32> to vector<16xi32>
        %gather3A_386 = tpu.dynamic_gather %add3A_373[%gather3A_385] in [0] : vector<16xf32>, vector<16xi32> -> vector<16xf32>
        %add3A_387 = arith.addf %add3A_373, %gather3A_386 : vector<16xf32>
        %xor3A_388 = arith.constant 4 : i32
        %xor3A_389 = vector.broadcast %xor3A_388 : i32 to vector<16xi32>
        %xor3A_390 = arith.xori %iota3A, %xor3A_389 : vector<16xi32>
        %lt3A_391 = arith.constant 0 : i32
        %lt3A_392 = vector.broadcast %lt3A_391 : i32 to vector<16xi32>
        %lt3A_393 = arith.cmpi slt, %xor3A_390, %lt3A_392 : vector<16xi32>
        %add3A_394 = arith.constant 16 : i32
        %add3A_395 = vector.broadcast %add3A_394 : i32 to vector<16xi32>
        %add3A_396 = arith.addi %xor3A_390, %add3A_395 : vector<16xi32>
        %select_n3A_397 = arith.select %lt3A_393, %add3A_396, %xor3A_390 : vector<16xi1>, vector<16xi32>
        %broadcast_in_dim3A_398 = vector.shape_cast %select_n3A_397 : vector<16xi32> to vector<16x1xi32>
        %gather3A_399 = vector.shape_cast %broadcast_in_dim3A_398 : vector<16x1xi32> to vector<16xi32>
        %gather3A_400 = tpu.dynamic_gather %add3A_387[%gather3A_399] in [0] : vector<16xf32>, vector<16xi32> -> vector<16xf32>
        %add3A_401 = arith.addf %add3A_387, %gather3A_400 : vector<16xf32>
        %xor3A_402 = arith.constant 8 : i32
        %xor3A_403 = vector.broadcast %xor3A_402 : i32 to vector<16xi32>
        %xor3A_404 = arith.xori %iota3A, %xor3A_403 : vector<16xi32>
        %lt3A_405 = arith.constant 0 : i32
        %lt3A_406 = vector.broadcast %lt3A_405 : i32 to vector<16xi32>
        %lt3A_407 = arith.cmpi slt, %xor3A_404, %lt3A_406 : vector<16xi32>
        %add3A_408 = arith.constant 16 : i32
        %add3A_409 = vector.broadcast %add3A_408 : i32 to vector<16xi32>
        %add3A_410 = arith.addi %xor3A_404, %add3A_409 : vector<16xi32>
        %select_n3A_411 = arith.select %lt3A_407, %add3A_410, %xor3A_404 : vector<16xi1>, vector<16xi32>
        %broadcast_in_dim3A_412 = vector.shape_cast %select_n3A_411 : vector<16xi32> to vector<16x1xi32>
        %gather3A_413 = vector.shape_cast %broadcast_in_dim3A_412 : vector<16x1xi32> to vector<16xi32>
        %gather3A_414 = tpu.dynamic_gather %add3A_401[%gather3A_413] in [0] : vector<16xf32>, vector<16xi32> -> vector<16xf32>
        %add3A_415 = arith.addf %add3A_401, %gather3A_414 : vector<16xf32>
        %swap3A = arith.constant 0 : index
        %swap3A_416 = tpu.vector_load %arg19[%swap3A] {strides = array<i32>} : memref<16xf32, #tpu.memory_space<vmem>>, vector<16xf32>,
        %swap3A_417 = vector.shape_cast %swap3A_416 : vector<16xf32> to vector<16xf32>
        %swap3A_418 = vector.shape_cast %add3A_415 : vector<16xf32> to vector<16xf32>
        tpu.vector_store %arg19[%swap3A], %swap3A_418 {strides = array<i32>} : memref<16xf32, #tpu.memory_space<vmem>>, vector<16xf32>,
        %swap3A_419 = arith.constant 0 : index
        %swap3A_420 = tpu.vector_load %arg18[%swap3A_419] {strides = array<i32>} : memref<16xf32, #tpu.memory_space<vmem>>, vector<16xf32>,
        %swap3A_421 = vector.shape_cast %swap3A_420 : vector<16xf32> to vector<16xf32>
        %swap3A_422 = vector.shape_cast %add3A_359 : vector<16xf32> to vector<16xf32>
        tpu.vector_store %arg18[%swap3A_419], %swap3A_422 {strides = array<i32>} : memref<16xf32, #tpu.memory_space<vmem>>, vector<16xf32>,
      } else {
      }
      %lt3A = arith.constant 3 : i32
      %lt3A_50 = arith.cmpi slt, %scan3A_41, %lt3A : i32
      %convert_element_type3A_51 = arith.extui %lt3A_50 : i1 to i32
      %cond3A_52 = arith.constant 0 : i32
      %cond3A_53 = arith.cmpi ne, %convert_element_type3A_51, %cond3A_52 : i32
      scf.if %cond3A_53 {
        %add3A_133 = arith.constant 1 : i32
        %add3A_134 = arith.addi %scan3A_41, %add3A_133 : i32
        %dma_start3A = arith.constant 0 : i32
        %dma_start3A_135 = arith.constant 0 : i32
        %dma_start3A_136 = arith.constant 0 : i32
        %dma_start3A_137 = tpu.memref_slice %arg13[%rem3A_46, %dma_start3A_135, %dma_start3A_136] : memref<2x128x128xf32, #tpu.memory_space<vmem>> -> memref<1x128x128xf32, #tpu.memory_space<vmem>>
        %dma_start3A_138 = tpu.memref_squeeze %dma_start3A_137 : memref<1x128x128xf32, #tpu.memory_space<vmem>> -> memref<128x128xf32, #tpu.memory_space<vmem>>
        %dma_start3A_139 = arith.constant 0 : i32
        %dma_start3A_140 = tpu.memref_slice %arg11[%add3A_134, %dma_start3A, %dma_start3A_139] : memref<4x1x128xi32, #tpu.memory_space<vmem>> -> memref<1x1x128xi32, #tpu.memory_space<vmem>>
        %dma_start3A_141 = tpu.memref_squeeze %dma_start3A_140 : memref<1x1x128xi32, #tpu.memory_space<vmem>> -> memref<128xi32, #tpu.memory_space<vmem>>
        %dma_start3A_142 = arith.constant 0 : i32
        %dma_start3A_143 = arith.constant 0 : i32
        %dma_start3A_144 = tpu.memref_slice %arg4[%dma_start3A_142, %dma_start3A_143] : memref<100000x128xf32, #tpu.memory_space<hbm>> -> memref<100000x128xf32, #tpu.memory_space<hbm>>
        %dma_start3A_145 = tpu.memref_slice %arg22[%rem3A_46] : memref<2x!tpu.dma_semaphore, #tpu.memory_space<semaphore_mem>> -> memref<1x!tpu.dma_semaphore, #tpu.memory_space<semaphore_mem>>
        %dma_start3A_146 = tpu.memref_squeeze %dma_start3A_145 : memref<1x!tpu.dma_semaphore, #tpu.memory_space<semaphore_mem>> -> memref<!tpu.dma_semaphore, #tpu.memory_space<semaphore_mem>>
        tpu.enqueue_indirect_dma source(%dma_start3A_144 : memref<100000x128xf32, #tpu.memory_space<hbm>>) target(%dma_start3A_138 : memref<128x128xf32, #tpu.memory_space<vmem>>) offsets(%dma_start3A_141 : memref<128xi32, #tpu.memory_space<vmem>>) semaphore(%dma_start3A_146 : memref<!tpu.dma_semaphore, #tpu.memory_space<semaphore_mem>>)
        %dma_start3A_147 = arith.constant 0 : i32
        %dma_start3A_148 = arith.constant 0 : i32
        %dma_start3A_149 = arith.constant 0 : i32
        %dma_start3A_150 = tpu.memref_slice %arg14[%rem3A_46, %dma_start3A_148, %dma_start3A_149] : memref<2x128x128xf32, #tpu.memory_space<vmem>> -> memref<1x128x128xf32, #tpu.memory_space<vmem>>
        %dma_start3A_151 = tpu.memref_squeeze %dma_start3A_150 : memref<1x128x128xf32, #tpu.memory_space<vmem>> -> memref<128x128xf32, #tpu.memory_space<vmem>>
        %dma_start3A_152 = arith.constant 0 : i32
        %dma_start3A_153 = tpu.memref_slice %arg12[%add3A_134, %dma_start3A_147, %dma_start3A_152] : memref<4x1x128xi32, #tpu.memory_space<vmem>> -> memref<1x1x128xi32, #tpu.memory_space<vmem>>
        %dma_start3A_154 = tpu.memref_squeeze %dma_start3A_153 : memref<1x1x128xi32, #tpu.memory_space<vmem>> -> memref<128xi32, #tpu.memory_space<vmem>>
        %dma_start3A_155 = arith.constant 0 : i32
        %dma_start3A_156 = arith.constant 0 : i32
        %dma_start3A_157 = tpu.memref_slice %arg5[%dma_start3A_155, %dma_start3A_156] : memref<100000x128xf32, #tpu.memory_space<hbm>> -> memref<100000x128xf32, #tpu.memory_space<hbm>>
        %dma_start3A_158 = tpu.memref_slice %arg22[%rem3A_46] : memref<2x!tpu.dma_semaphore, #tpu.memory_space<semaphore_mem>> -> memref<1x!tpu.dma_semaphore, #tpu.memory_space<semaphore_mem>>
        %dma_start3A_159 = tpu.memref_squeeze %dma_start3A_158 : memref<1x!tpu.dma_semaphore, #tpu.memory_space<semaphore_mem>> -> memref<!tpu.dma_semaphore, #tpu.memory_space<semaphore_mem>>
        tpu.enqueue_indirect_dma source(%dma_start3A_157 : memref<100000x128xf32, #tpu.memory_space<hbm>>) target(%dma_start3A_151 : memref<128x128xf32, #tpu.memory_space<vmem>>) offsets(%dma_start3A_154 : memref<128xi32, #tpu.memory_space<vmem>>) semaphore(%dma_start3A_159 : memref<!tpu.dma_semaphore, #tpu.memory_space<semaphore_mem>>)
        %dma_start3A_160 = arith.constant 0 : i32
        %dma_start3A_161 = arith.constant 0 : i32
        %dma_start3A_162 = tpu.memref_slice %arg15[%rem3A_46, %dma_start3A_160, %dma_start3A_161] : memref<2x1x128xf32, #tpu.memory_space<vmem>> -> memref<1x1x128xf32, #tpu.memory_space<vmem>>
        %dma_start3A_163 = tpu.memref_squeeze %dma_start3A_162 : memref<1x1x128xf32, #tpu.memory_space<vmem>> -> memref<1x128xf32, #tpu.memory_space<vmem>>
        %dma_start3A_164 = arith.constant 0 : i32
        %dma_start3A_165 = arith.constant 0 : i32
        %dma_start3A_166 = tpu.memref_slice %arg11[%add3A_134, %dma_start3A_164, %dma_start3A_165] : memref<4x1x128xi32, #tpu.memory_space<vmem>> -> memref<1x1x128xi32, #tpu.memory_space<vmem>>
        %dma_start3A_167 = tpu.memref_squeeze %dma_start3A_166 : memref<1x1x128xi32, #tpu.memory_space<vmem>> -> memref<1x128xi32, #tpu.memory_space<vmem>>
        %dma_start3A_168 = arith.constant 0 : i32
        %dma_start3A_169 = arith.constant 0 : i32
        %dma_start3A_170 = tpu.memref_slice %arg6[%dma_start3A_168, %dma_start3A_169] : memref<1x100000xf32, #tpu.memory_space<hbm>> -> memref<1x100000xf32, #tpu.memory_space<hbm>>
        %dma_start3A_171 = tpu.memref_slice %arg23[%rem3A_46] : memref<2x!tpu.dma_semaphore, #tpu.memory_space<semaphore_mem>> -> memref<1x!tpu.dma_semaphore, #tpu.memory_space<semaphore_mem>>
        %dma_start3A_172 = tpu.memref_squeeze %dma_start3A_171 : memref<1x!tpu.dma_semaphore, #tpu.memory_space<semaphore_mem>> -> memref<!tpu.dma_semaphore, #tpu.memory_space<semaphore_mem>>
        tpu.enqueue_indirect_dma source(%dma_start3A_170 : memref<1x100000xf32, #tpu.memory_space<hbm>>) target(%dma_start3A_163 : memref<1x128xf32, #tpu.memory_space<vmem>>) offsets(%dma_start3A_167 : memref<1x128xi32, #tpu.memory_space<vmem>>) semaphore(%dma_start3A_172 : memref<!tpu.dma_semaphore, #tpu.memory_space<semaphore_mem>>)
        %dma_start3A_173 = arith.constant 0 : i32
        %dma_start3A_174 = arith.constant 0 : i32
        %dma_start3A_175 = tpu.memref_slice %arg16[%rem3A_46, %dma_start3A_173, %dma_start3A_174] : memref<2x1x128xf32, #tpu.memory_space<vmem>> -> memref<1x1x128xf32, #tpu.memory_space<vmem>>
        %dma_start3A_176 = tpu.memref_squeeze %dma_start3A_175 : memref<1x1x128xf32, #tpu.memory_space<vmem>> -> memref<1x128xf32, #tpu.memory_space<vmem>>
        %dma_start3A_177 = arith.constant 0 : i32
        %dma_start3A_178 = arith.constant 0 : i32
        %dma_start3A_179 = tpu.memref_slice %arg12[%add3A_134, %dma_start3A_177, %dma_start3A_178] : memref<4x1x128xi32, #tpu.memory_space<vmem>> -> memref<1x1x128xi32, #tpu.memory_space<vmem>>
        %dma_start3A_180 = tpu.memref_squeeze %dma_start3A_179 : memref<1x1x128xi32, #tpu.memory_space<vmem>> -> memref<1x128xi32, #tpu.memory_space<vmem>>
        %dma_start3A_181 = arith.constant 0 : i32
        %dma_start3A_182 = arith.constant 0 : i32
        %dma_start3A_183 = tpu.memref_slice %arg7[%dma_start3A_181, %dma_start3A_182] : memref<1x100000xf32, #tpu.memory_space<hbm>> -> memref<1x100000xf32, #tpu.memory_space<hbm>>
        %dma_start3A_184 = tpu.memref_slice %arg23[%rem3A_46] : memref<2x!tpu.dma_semaphore, #tpu.memory_space<semaphore_mem>> -> memref<1x!tpu.dma_semaphore, #tpu.memory_space<semaphore_mem>>
        %dma_start3A_185 = tpu.memref_squeeze %dma_start3A_184 : memref<1x!tpu.dma_semaphore, #tpu.memory_space<semaphore_mem>> -> memref<!tpu.dma_semaphore, #tpu.memory_space<semaphore_mem>>
        tpu.enqueue_indirect_dma source(%dma_start3A_183 : memref<1x100000xf32, #tpu.memory_space<hbm>>) target(%dma_start3A_176 : memref<1x128xf32, #tpu.memory_space<vmem>>) offsets(%dma_start3A_180 : memref<1x128xi32, #tpu.memory_space<vmem>>) semaphore(%dma_start3A_185 : memref<!tpu.dma_semaphore, #tpu.memory_space<semaphore_mem>>)
      } else {
      }
      %dma_wait3A = arith.constant 0 : i32
      %dma_wait3A_54 = arith.constant 0 : i32
      %dma_wait3A_55 = arith.constant 0 : i32
      %dma_wait3A_56 = tpu.memref_slice %arg13[%rem3A_42, %dma_wait3A_54, %dma_wait3A_55] : memref<2x128x128xf32, #tpu.memory_space<vmem>> -> memref<1x128x128xf32, #tpu.memory_space<vmem>>
      %dma_wait3A_57 = tpu.memref_squeeze %dma_wait3A_56 : memref<1x128x128xf32, #tpu.memory_space<vmem>> -> memref<128x128xf32, #tpu.memory_space<vmem>>
      %dma_wait3A_58 = arith.constant 0 : i32
      %dma_wait3A_59 = tpu.memref_slice %arg11[%scan3A_41, %dma_wait3A, %dma_wait3A_58] : memref<4x1x128xi32, #tpu.memory_space<vmem>> -> memref<1x1x128xi32, #tpu.memory_space<vmem>>
      %dma_wait3A_60 = tpu.memref_squeeze %dma_wait3A_59 : memref<1x1x128xi32, #tpu.memory_space<vmem>> -> memref<128xi32, #tpu.memory_space<vmem>>
      %dma_wait3A_61 = arith.constant 0 : i32
      %dma_wait3A_62 = arith.constant 0 : i32
      %dma_wait3A_63 = tpu.memref_slice %arg4[%dma_wait3A_61, %dma_wait3A_62] : memref<100000x128xf32, #tpu.memory_space<hbm>> -> memref<100000x128xf32, #tpu.memory_space<hbm>>
      %dma_wait3A_64 = tpu.memref_slice %arg22[%rem3A_42] : memref<2x!tpu.dma_semaphore, #tpu.memory_space<semaphore_mem>> -> memref<1x!tpu.dma_semaphore, #tpu.memory_space<semaphore_mem>>
      %dma_wait3A_65 = tpu.memref_squeeze %dma_wait3A_64 : memref<1x!tpu.dma_semaphore, #tpu.memory_space<semaphore_mem>> -> memref<!tpu.dma_semaphore, #tpu.memory_space<semaphore_mem>>
      tpu.wait_indirect_dma semaphore(%dma_wait3A_65 : memref<!tpu.dma_semaphore, #tpu.memory_space<semaphore_mem>>) src(%dma_wait3A_63 : memref<100000x128xf32, #tpu.memory_space<hbm>>) dst(%dma_wait3A_57 : memref<128x128xf32, #tpu.memory_space<vmem>>)
      %dma_wait3A_66 = arith.constant 0 : i32
      %dma_wait3A_67 = arith.constant 0 : i32
      %dma_wait3A_68 = arith.constant 0 : i32
      %dma_wait3A_69 = tpu.memref_slice %arg14[%rem3A_42, %dma_wait3A_67, %dma_wait3A_68] : memref<2x128x128xf32, #tpu.memory_space<vmem>> -> memref<1x128x128xf32, #tpu.memory_space<vmem>>
      %dma_wait3A_70 = tpu.memref_squeeze %dma_wait3A_69 : memref<1x128x128xf32, #tpu.memory_space<vmem>> -> memref<128x128xf32, #tpu.memory_space<vmem>>
      %dma_wait3A_71 = arith.constant 0 : i32
      %dma_wait3A_72 = tpu.memref_slice %arg12[%scan3A_41, %dma_wait3A_66, %dma_wait3A_71] : memref<4x1x128xi32, #tpu.memory_space<vmem>> -> memref<1x1x128xi32, #tpu.memory_space<vmem>>
      %dma_wait3A_73 = tpu.memref_squeeze %dma_wait3A_72 : memref<1x1x128xi32, #tpu.memory_space<vmem>> -> memref<128xi32, #tpu.memory_space<vmem>>
      %dma_wait3A_74 = arith.constant 0 : i32
      %dma_wait3A_75 = arith.constant 0 : i32
      %dma_wait3A_76 = tpu.memref_slice %arg5[%dma_wait3A_74, %dma_wait3A_75] : memref<100000x128xf32, #tpu.memory_space<hbm>> -> memref<100000x128xf32, #tpu.memory_space<hbm>>
      %dma_wait3A_77 = tpu.memref_slice %arg22[%rem3A_42] : memref<2x!tpu.dma_semaphore, #tpu.memory_space<semaphore_mem>> -> memref<1x!tpu.dma_semaphore, #tpu.memory_space<semaphore_mem>>
      %dma_wait3A_78 = tpu.memref_squeeze %dma_wait3A_77 : memref<1x!tpu.dma_semaphore, #tpu.memory_space<semaphore_mem>> -> memref<!tpu.dma_semaphore, #tpu.memory_space<semaphore_mem>>
      tpu.wait_indirect_dma semaphore(%dma_wait3A_78 : memref<!tpu.dma_semaphore, #tpu.memory_space<semaphore_mem>>) src(%dma_wait3A_76 : memref<100000x128xf32, #tpu.memory_space<hbm>>) dst(%dma_wait3A_70 : memref<128x128xf32, #tpu.memory_space<vmem>>)
      %get3A = arith.constant 0 : index
      %get3A_79 = tpu.vector_load %arg17[%get3A] {strides = array<i32>} : memref<128xf32, #tpu.memory_space<vmem>>, vector<16xf32>,
      %get3A_80 = vector.shape_cast %get3A_79 : vector<16xf32> to vector<16xf32>
      %get3A_81 = arith.constant 16 : index
      %get3A_82 = tpu.vector_load %arg17[%get3A_81] {strides = array<i32>} : memref<128xf32, #tpu.memory_space<vmem>>, vector<16xf32>,
      %get3A_83 = vector.shape_cast %get3A_82 : vector<16xf32> to vector<16xf32>
      %get3A_84 = arith.constant 32 : index
      %get3A_85 = tpu.vector_load %arg17[%get3A_84] {strides = array<i32>} : memref<128xf32, #tpu.memory_space<vmem>>, vector<16xf32>,
      %get3A_86 = vector.shape_cast %get3A_85 : vector<16xf32> to vector<16xf32>
      %get3A_87 = arith.constant 48 : index
      %get3A_88 = tpu.vector_load %arg17[%get3A_87] {strides = array<i32>} : memref<128xf32, #tpu.memory_space<vmem>>, vector<16xf32>,
      %get3A_89 = vector.shape_cast %get3A_88 : vector<16xf32> to vector<16xf32>
      %get3A_90 = arith.constant 64 : index
      %get3A_91 = tpu.vector_load %arg17[%get3A_90] {strides = array<i32>} : memref<128xf32, #tpu.memory_space<vmem>>, vector<16xf32>,
      %get3A_92 = vector.shape_cast %get3A_91 : vector<16xf32> to vector<16xf32>
      %get3A_93 = arith.constant 80 : index
      %get3A_94 = tpu.vector_load %arg17[%get3A_93] {strides = array<i32>} : memref<128xf32, #tpu.memory_space<vmem>>, vector<16xf32>,
      %get3A_95 = vector.shape_cast %get3A_94 : vector<16xf32> to vector<16xf32>
      %get3A_96 = arith.constant 96 : index
      %get3A_97 = tpu.vector_load %arg17[%get3A_96] {strides = array<i32>} : memref<128xf32, #tpu.memory_space<vmem>>, vector<16xf32>,
      %get3A_98 = vector.shape_cast %get3A_97 : vector<16xf32> to vector<16xf32>
      %get3A_99 = arith.constant 112 : index
      %get3A_100 = tpu.vector_load %arg17[%get3A_99] {strides = array<i32>} : memref<128xf32, #tpu.memory_space<vmem>>, vector<16xf32>,
      %get3A_101 = vector.shape_cast %get3A_100 : vector<16xf32> to vector<16xf32>
      %parallel_loop3A = arith.constant 0 : i32
      %parallel_loop3A_102 = arith.constant 128 : i32
      %parallel_loop3A_103 = arith.constant 1 : i32
      scf.for %parallel_loop3A_133 = %parallel_loop3A to %parallel_loop3A_102 step %parallel_loop3A_103  : i32 {
        %parallel_loop3A_134 = arith.index_cast %rem3A_42 : i32 to index
        %parallel_loop3A_135 = arith.index_cast %parallel_loop3A_133 : i32 to index
        %parallel_loop3A_136 = arith.constant 0 : index
        %parallel_loop3A_137 = tpu.vector_load %arg13[%parallel_loop3A_134, %parallel_loop3A_135, %parallel_loop3A_136] {strides = array<i32>} : memref<2x128x128xf32, #tpu.memory_space<vmem>>, vector<1x1x16xf32>,
        %parallel_loop3A_138 = vector.shape_cast %parallel_loop3A_137 : vector<1x1x16xf32> to vector<16xf32>
        %parallel_loop3A_139 = arith.index_cast %rem3A_42 : i32 to index
        %parallel_loop3A_140 = arith.index_cast %parallel_loop3A_133 : i32 to index
        %parallel_loop3A_141 = arith.constant 0 : index
        %parallel_loop3A_142 = tpu.vector_load %arg14[%parallel_loop3A_139, %parallel_loop3A_140, %parallel_loop3A_141] {strides = array<i32>} : memref<2x128x128xf32, #tpu.memory_space<vmem>>, vector<1x1x16xf32>,
        %parallel_loop3A_143 = vector.shape_cast %parallel_loop3A_142 : vector<1x1x16xf32> to vector<16xf32>
        %parallel_loop3A_144 = arith.mulf %parallel_loop3A_138, %parallel_loop3A_143 : vector<16xf32>
        %parallel_loop3A_145 = arith.mulf %parallel_loop3A_144, %get3A_80 : vector<16xf32>
        %parallel_loop3A_146 = arith.index_cast %rem3A_42 : i32 to index
        %parallel_loop3A_147 = arith.index_cast %parallel_loop3A_133 : i32 to index
        %parallel_loop3A_148 = arith.constant 16 : index
        %parallel_loop3A_149 = tpu.vector_load %arg13[%parallel_loop3A_146, %parallel_loop3A_147, %parallel_loop3A_148] {strides = array<i32>} : memref<2x128x128xf32, #tpu.memory_space<vmem>>, vector<1x1x16xf32>,
        %parallel_loop3A_150 = vector.shape_cast %parallel_loop3A_149 : vector<1x1x16xf32> to vector<16xf32>
        %parallel_loop3A_151 = arith.index_cast %rem3A_42 : i32 to index
        %parallel_loop3A_152 = arith.index_cast %parallel_loop3A_133 : i32 to index
        %parallel_loop3A_153 = arith.constant 16 : index
        %parallel_loop3A_154 = tpu.vector_load %arg14[%parallel_loop3A_151, %parallel_loop3A_152, %parallel_loop3A_153] {strides = array<i32>} : memref<2x128x128xf32, #tpu.memory_space<vmem>>, vector<1x1x16xf32>,
        %parallel_loop3A_155 = vector.shape_cast %parallel_loop3A_154 : vector<1x1x16xf32> to vector<16xf32>
        %parallel_loop3A_156 = arith.mulf %parallel_loop3A_150, %parallel_loop3A_155 : vector<16xf32>
        %parallel_loop3A_157 = arith.mulf %parallel_loop3A_156, %get3A_83 : vector<16xf32>
        %parallel_loop3A_158 = arith.index_cast %rem3A_42 : i32 to index
        %parallel_loop3A_159 = arith.index_cast %parallel_loop3A_133 : i32 to index
        %parallel_loop3A_160 = arith.constant 32 : index
        %parallel_loop3A_161 = tpu.vector_load %arg13[%parallel_loop3A_158, %parallel_loop3A_159, %parallel_loop3A_160] {strides = array<i32>} : memref<2x128x128xf32, #tpu.memory_space<vmem>>, vector<1x1x16xf32>,
        %parallel_loop3A_162 = vector.shape_cast %parallel_loop3A_161 : vector<1x1x16xf32> to vector<16xf32>
        %parallel_loop3A_163 = arith.index_cast %rem3A_42 : i32 to index
        %parallel_loop3A_164 = arith.index_cast %parallel_loop3A_133 : i32 to index
        %parallel_loop3A_165 = arith.constant 32 : index
        %parallel_loop3A_166 = tpu.vector_load %arg14[%parallel_loop3A_163, %parallel_loop3A_164, %parallel_loop3A_165] {strides = array<i32>} : memref<2x128x128xf32, #tpu.memory_space<vmem>>, vector<1x1x16xf32>,
        %parallel_loop3A_167 = vector.shape_cast %parallel_loop3A_166 : vector<1x1x16xf32> to vector<16xf32>
        %parallel_loop3A_168 = arith.mulf %parallel_loop3A_162, %parallel_loop3A_167 : vector<16xf32>
        %parallel_loop3A_169 = arith.mulf %parallel_loop3A_168, %get3A_86 : vector<16xf32>
        %parallel_loop3A_170 = arith.addf %parallel_loop3A_145, %parallel_loop3A_169 : vector<16xf32>
        %parallel_loop3A_171 = arith.index_cast %rem3A_42 : i32 to index
        %parallel_loop3A_172 = arith.index_cast %parallel_loop3A_133 : i32 to index
        %parallel_loop3A_173 = arith.constant 48 : index
        %parallel_loop3A_174 = tpu.vector_load %arg13[%parallel_loop3A_171, %parallel_loop3A_172, %parallel_loop3A_173] {strides = array<i32>} : memref<2x128x128xf32, #tpu.memory_space<vmem>>, vector<1x1x16xf32>,
        %parallel_loop3A_175 = vector.shape_cast %parallel_loop3A_174 : vector<1x1x16xf32> to vector<16xf32>
        %parallel_loop3A_176 = arith.index_cast %rem3A_42 : i32 to index
        %parallel_loop3A_177 = arith.index_cast %parallel_loop3A_133 : i32 to index
        %parallel_loop3A_178 = arith.constant 48 : index
        %parallel_loop3A_179 = tpu.vector_load %arg14[%parallel_loop3A_176, %parallel_loop3A_177, %parallel_loop3A_178] {strides = array<i32>} : memref<2x128x128xf32, #tpu.memory_space<vmem>>, vector<1x1x16xf32>,
        %parallel_loop3A_180 = vector.shape_cast %parallel_loop3A_179 : vector<1x1x16xf32> to vector<16xf32>
        %parallel_loop3A_181 = arith.mulf %parallel_loop3A_175, %parallel_loop3A_180 : vector<16xf32>
        %parallel_loop3A_182 = arith.mulf %parallel_loop3A_181, %get3A_89 : vector<16xf32>
        %parallel_loop3A_183 = arith.addf %parallel_loop3A_157, %parallel_loop3A_182 : vector<16xf32>
        %parallel_loop3A_184 = arith.index_cast %rem3A_42 : i32 to index
        %parallel_loop3A_185 = arith.index_cast %parallel_loop3A_133 : i32 to index
        %parallel_loop3A_186 = arith.constant 64 : index
        %parallel_loop3A_187 = tpu.vector_load %arg13[%parallel_loop3A_184, %parallel_loop3A_185, %parallel_loop3A_186] {strides = array<i32>} : memref<2x128x128xf32, #tpu.memory_space<vmem>>, vector<1x1x16xf32>,
        %parallel_loop3A_188 = vector.shape_cast %parallel_loop3A_187 : vector<1x1x16xf32> to vector<16xf32>
        %parallel_loop3A_189 = arith.index_cast %rem3A_42 : i32 to index
        %parallel_loop3A_190 = arith.index_cast %parallel_loop3A_133 : i32 to index
        %parallel_loop3A_191 = arith.constant 64 : index
        %parallel_loop3A_192 = tpu.vector_load %arg14[%parallel_loop3A_189, %parallel_loop3A_190, %parallel_loop3A_191] {strides = array<i32>} : memref<2x128x128xf32, #tpu.memory_space<vmem>>, vector<1x1x16xf32>,
        %parallel_loop3A_193 = vector.shape_cast %parallel_loop3A_192 : vector<1x1x16xf32> to vector<16xf32>
        %parallel_loop3A_194 = arith.mulf %parallel_loop3A_188, %parallel_loop3A_193 : vector<16xf32>
        %parallel_loop3A_195 = arith.mulf %parallel_loop3A_194, %get3A_92 : vector<16xf32>
        %parallel_loop3A_196 = arith.addf %parallel_loop3A_170, %parallel_loop3A_195 : vector<16xf32>
        %parallel_loop3A_197 = arith.index_cast %rem3A_42 : i32 to index
        %parallel_loop3A_198 = arith.index_cast %parallel_loop3A_133 : i32 to index
        %parallel_loop3A_199 = arith.constant 80 : index
        %parallel_loop3A_200 = tpu.vector_load %arg13[%parallel_loop3A_197, %parallel_loop3A_198, %parallel_loop3A_199] {strides = array<i32>} : memref<2x128x128xf32, #tpu.memory_space<vmem>>, vector<1x1x16xf32>,
        %parallel_loop3A_201 = vector.shape_cast %parallel_loop3A_200 : vector<1x1x16xf32> to vector<16xf32>
        %parallel_loop3A_202 = arith.index_cast %rem3A_42 : i32 to index
        %parallel_loop3A_203 = arith.index_cast %parallel_loop3A_133 : i32 to index
        %parallel_loop3A_204 = arith.constant 80 : index
        %parallel_loop3A_205 = tpu.vector_load %arg14[%parallel_loop3A_202, %parallel_loop3A_203, %parallel_loop3A_204] {strides = array<i32>} : memref<2x128x128xf32, #tpu.memory_space<vmem>>, vector<1x1x16xf32>,
        %parallel_loop3A_206 = vector.shape_cast %parallel_loop3A_205 : vector<1x1x16xf32> to vector<16xf32>
        %parallel_loop3A_207 = arith.mulf %parallel_loop3A_201, %parallel_loop3A_206 : vector<16xf32>
        %parallel_loop3A_208 = arith.mulf %parallel_loop3A_207, %get3A_95 : vector<16xf32>
        %parallel_loop3A_209 = arith.addf %parallel_loop3A_183, %parallel_loop3A_208 : vector<16xf32>
        %parallel_loop3A_210 = arith.index_cast %rem3A_42 : i32 to index
        %parallel_loop3A_211 = arith.index_cast %parallel_loop3A_133 : i32 to index
        %parallel_loop3A_212 = arith.constant 96 : index
        %parallel_loop3A_213 = tpu.vector_load %arg13[%parallel_loop3A_210, %parallel_loop3A_211, %parallel_loop3A_212] {strides = array<i32>} : memref<2x128x128xf32, #tpu.memory_space<vmem>>, vector<1x1x16xf32>,
        %parallel_loop3A_214 = vector.shape_cast %parallel_loop3A_213 : vector<1x1x16xf32> to vector<16xf32>
        %parallel_loop3A_215 = arith.index_cast %rem3A_42 : i32 to index
        %parallel_loop3A_216 = arith.index_cast %parallel_loop3A_133 : i32 to index
        %parallel_loop3A_217 = arith.constant 96 : index
        %parallel_loop3A_218 = tpu.vector_load %arg14[%parallel_loop3A_215, %parallel_loop3A_216, %parallel_loop3A_217] {strides = array<i32>} : memref<2x128x128xf32, #tpu.memory_space<vmem>>, vector<1x1x16xf32>,
        %parallel_loop3A_219 = vector.shape_cast %parallel_loop3A_218 : vector<1x1x16xf32> to vector<16xf32>
        %parallel_loop3A_220 = arith.mulf %parallel_loop3A_214, %parallel_loop3A_219 : vector<16xf32>
        %parallel_loop3A_221 = arith.mulf %parallel_loop3A_220, %get3A_98 : vector<16xf32>
        %parallel_loop3A_222 = arith.addf %parallel_loop3A_196, %parallel_loop3A_221 : vector<16xf32>
        %parallel_loop3A_223 = arith.index_cast %rem3A_42 : i32 to index
        %parallel_loop3A_224 = arith.index_cast %parallel_loop3A_133 : i32 to index
        %parallel_loop3A_225 = arith.constant 112 : index
        %parallel_loop3A_226 = tpu.vector_load %arg13[%parallel_loop3A_223, %parallel_loop3A_224, %parallel_loop3A_225] {strides = array<i32>} : memref<2x128x128xf32, #tpu.memory_space<vmem>>, vector<1x1x16xf32>,
        %parallel_loop3A_227 = vector.shape_cast %parallel_loop3A_226 : vector<1x1x16xf32> to vector<16xf32>
        %parallel_loop3A_228 = arith.index_cast %rem3A_42 : i32 to index
        %parallel_loop3A_229 = arith.index_cast %parallel_loop3A_133 : i32 to index
        %parallel_loop3A_230 = arith.constant 112 : index
        %parallel_loop3A_231 = tpu.vector_load %arg14[%parallel_loop3A_228, %parallel_loop3A_229, %parallel_loop3A_230] {strides = array<i32>} : memref<2x128x128xf32, #tpu.memory_space<vmem>>, vector<1x1x16xf32>,
        %parallel_loop3A_232 = vector.shape_cast %parallel_loop3A_231 : vector<1x1x16xf32> to vector<16xf32>
        %parallel_loop3A_233 = arith.mulf %parallel_loop3A_227, %parallel_loop3A_232 : vector<16xf32>
        %parallel_loop3A_234 = arith.mulf %parallel_loop3A_233, %get3A_101 : vector<16xf32>
        %parallel_loop3A_235 = arith.addf %parallel_loop3A_209, %parallel_loop3A_234 : vector<16xf32>
        %parallel_loop3A_236 = arith.addf %parallel_loop3A_222, %parallel_loop3A_235 : vector<16xf32>
        %parallel_loop3A_237 = arith.index_cast %parallel_loop3A_133 : i32 to index
        %parallel_loop3A_238 = arith.constant 0 : index
        %parallel_loop3A_239 = tpu.vector_load %arg20[%parallel_loop3A_237, %parallel_loop3A_238] {strides = array<i32>} : memref<128x16xf32, #tpu.memory_space<vmem>>, vector<1x16xf32>,
        %parallel_loop3A_240 = vector.shape_cast %parallel_loop3A_239 : vector<1x16xf32> to vector<16xf32>
        %parallel_loop3A_241 = vector.shape_cast %parallel_loop3A_236 : vector<16xf32> to vector<1x16xf32>
        tpu.vector_store %arg20[%parallel_loop3A_237, %parallel_loop3A_238], %parallel_loop3A_241 {strides = array<i32>} : memref<128x16xf32, #tpu.memory_space<vmem>>, vector<1x16xf32>,
      } {sc.loop_unroll_factor = 8 : i64, sc.parallel_access}
      %dma_wait3A_104 = arith.constant 0 : i32
      %dma_wait3A_105 = arith.constant 0 : i32
      %dma_wait3A_106 = tpu.memref_slice %arg15[%rem3A_42, %dma_wait3A_104, %dma_wait3A_105] : memref<2x1x128xf32, #tpu.memory_space<vmem>> -> memref<1x1x128xf32, #tpu.memory_space<vmem>>
      %dma_wait3A_107 = tpu.memref_squeeze %dma_wait3A_106 : memref<1x1x128xf32, #tpu.memory_space<vmem>> -> memref<1x128xf32, #tpu.memory_space<vmem>>
      %dma_wait3A_108 = arith.constant 0 : i32
      %dma_wait3A_109 = arith.constant 0 : i32
      %dma_wait3A_110 = tpu.memref_slice %arg11[%scan3A_41, %dma_wait3A_108, %dma_wait3A_109] : memref<4x1x128xi32, #tpu.memory_space<vmem>> -> memref<1x1x128xi32, #tpu.memory_space<vmem>>
      %dma_wait3A_111 = tpu.memref_squeeze %dma_wait3A_110 : memref<1x1x128xi32, #tpu.memory_space<vmem>> -> memref<1x128xi32, #tpu.memory_space<vmem>>
      %dma_wait3A_112 = arith.constant 0 : i32
      %dma_wait3A_113 = arith.constant 0 : i32
      %dma_wait3A_114 = tpu.memref_slice %arg6[%dma_wait3A_112, %dma_wait3A_113] : memref<1x100000xf32, #tpu.memory_space<hbm>> -> memref<1x100000xf32, #tpu.memory_space<hbm>>
      %dma_wait3A_115 = tpu.memref_slice %arg23[%rem3A_42] : memref<2x!tpu.dma_semaphore, #tpu.memory_space<semaphore_mem>> -> memref<1x!tpu.dma_semaphore, #tpu.memory_space<semaphore_mem>>
      %dma_wait3A_116 = tpu.memref_squeeze %dma_wait3A_115 : memref<1x!tpu.dma_semaphore, #tpu.memory_space<semaphore_mem>> -> memref<!tpu.dma_semaphore, #tpu.memory_space<semaphore_mem>>
      tpu.wait_indirect_dma semaphore(%dma_wait3A_116 : memref<!tpu.dma_semaphore, #tpu.memory_space<semaphore_mem>>) src(%dma_wait3A_114 : memref<1x100000xf32, #tpu.memory_space<hbm>>) dst(%dma_wait3A_107 : memref<1x128xf32, #tpu.memory_space<vmem>>)
      %dma_wait3A_117 = arith.constant 0 : i32
      %dma_wait3A_118 = arith.constant 0 : i32
      %dma_wait3A_119 = tpu.memref_slice %arg16[%rem3A_42, %dma_wait3A_117, %dma_wait3A_118] : memref<2x1x128xf32, #tpu.memory_space<vmem>> -> memref<1x1x128xf32, #tpu.memory_space<vmem>>
      %dma_wait3A_120 = tpu.memref_squeeze %dma_wait3A_119 : memref<1x1x128xf32, #tpu.memory_space<vmem>> -> memref<1x128xf32, #tpu.memory_space<vmem>>
      %dma_wait3A_121 = arith.constant 0 : i32
      %dma_wait3A_122 = arith.constant 0 : i32
      %dma_wait3A_123 = tpu.memref_slice %arg12[%scan3A_41, %dma_wait3A_121, %dma_wait3A_122] : memref<4x1x128xi32, #tpu.memory_space<vmem>> -> memref<1x1x128xi32, #tpu.memory_space<vmem>>
      %dma_wait3A_124 = tpu.memref_squeeze %dma_wait3A_123 : memref<1x1x128xi32, #tpu.memory_space<vmem>> -> memref<1x128xi32, #tpu.memory_space<vmem>>
      %dma_wait3A_125 = arith.constant 0 : i32
      %dma_wait3A_126 = arith.constant 0 : i32
      %dma_wait3A_127 = tpu.memref_slice %arg7[%dma_wait3A_125, %dma_wait3A_126] : memref<1x100000xf32, #tpu.memory_space<hbm>> -> memref<1x100000xf32, #tpu.memory_space<hbm>>
      %dma_wait3A_128 = tpu.memref_slice %arg23[%rem3A_42] : memref<2x!tpu.dma_semaphore, #tpu.memory_space<semaphore_mem>> -> memref<1x!tpu.dma_semaphore, #tpu.memory_space<semaphore_mem>>
      %dma_wait3A_129 = tpu.memref_squeeze %dma_wait3A_128 : memref<1x!tpu.dma_semaphore, #tpu.memory_space<semaphore_mem>> -> memref<!tpu.dma_semaphore, #tpu.memory_space<semaphore_mem>>
      tpu.wait_indirect_dma semaphore(%dma_wait3A_129 : memref<!tpu.dma_semaphore, #tpu.memory_space<semaphore_mem>>) src(%dma_wait3A_127 : memref<1x100000xf32, #tpu.memory_space<hbm>>) dst(%dma_wait3A_120 : memref<1x128xf32, #tpu.memory_space<vmem>>)
      %parallel_loop3A_130 = arith.constant 0 : i32
      %parallel_loop3A_131 = arith.constant 8 : i32
      %parallel_loop3A_132 = arith.constant 1 : i32
      scf.for %parallel_loop3A_133 = %parallel_loop3A_130 to %parallel_loop3A_131 step %parallel_loop3A_132  : i32 {
        %parallel_loop3A_134 = arith.constant 16 : i32
        %parallel_loop3A_135 = arith.muli %parallel_loop3A_133, %parallel_loop3A_134 : i32
        %parallel_loop3A_136 = arith.constant 0 : i32
        %parallel_loop3A_137 = arith.addi %parallel_loop3A_135, %parallel_loop3A_136 : i32
        %parallel_loop3A_138 = arith.index_cast %parallel_loop3A_137 : i32 to index
        %parallel_loop3A_139 = arith.constant 0 : index
        %parallel_loop3A_140 = tpu.vector_load %arg20[%parallel_loop3A_138, %parallel_loop3A_139] {strides = array<i32>} : memref<128x16xf32, #tpu.memory_space<vmem>>, vector<1x16xf32>,
        %parallel_loop3A_141 = vector.shape_cast %parallel_loop3A_140 : vector<1x16xf32> to vector<16xf32>
        %parallel_loop3A_142 = arith.constant 8 : i32
        %parallel_loop3A_143 = arith.addi %parallel_loop3A_135, %parallel_loop3A_142 : i32
        %parallel_loop3A_144 = arith.index_cast %parallel_loop3A_143 : i32 to index
        %parallel_loop3A_145 = arith.constant 0 : index
        %parallel_loop3A_146 = tpu.vector_load %arg20[%parallel_loop3A_144, %parallel_loop3A_145] {strides = array<i32>} : memref<128x16xf32, #tpu.memory_space<vmem>>, vector<1x16xf32>,
        %parallel_loop3A_147 = vector.shape_cast %parallel_loop3A_146 : vector<1x16xf32> to vector<16xf32>
        %parallel_loop3A_148 = arith.constant 0 : i32
        %parallel_loop3A_149 = vector.broadcast %parallel_loop3A_148 : i32 to vector<16xi32>
        %parallel_loop3A_150 = arith.cmpi slt, %xor3A_24, %parallel_loop3A_149 : vector<16xi32>
        %parallel_loop3A_151 = arith.constant 16 : i32
        %parallel_loop3A_152 = vector.broadcast %parallel_loop3A_151 : i32 to vector<16xi32>
        %parallel_loop3A_153 = arith.addi %xor3A_24, %parallel_loop3A_152 : vector<16xi32>
        %parallel_loop3A_154 = arith.select %parallel_loop3A_150, %parallel_loop3A_153, %xor3A_24 : vector<16xi1>, vector<16xi32>
        %parallel_loop3A_155 = vector.shape_cast %parallel_loop3A_154 : vector<16xi32> to vector<16x1xi32>
        %parallel_loop3A_156 = vector.shape_cast %parallel_loop3A_155 : vector<16x1xi32> to vector<16xi32>
        %parallel_loop3A_157 = tpu.dynamic_gather %parallel_loop3A_141[%parallel_loop3A_156] in [0] : vector<16xf32>, vector<16xi32> -> vector<16xf32>
        %parallel_loop3A_158 = arith.addf %parallel_loop3A_141, %parallel_loop3A_157 : vector<16xf32>
        %parallel_loop3A_159 = arith.constant 0 : i32
        %parallel_loop3A_160 = vector.broadcast %parallel_loop3A_159 : i32 to vector<16xi32>
        %parallel_loop3A_161 = arith.cmpi slt, %xor3A_24, %parallel_loop3A_160 : vector<16xi32>
        %parallel_loop3A_162 = arith.constant 16 : i32
        %parallel_loop3A_163 = vector.broadcast %parallel_loop3A_162 : i32 to vector<16xi32>
        %parallel_loop3A_164 = arith.addi %xor3A_24, %parallel_loop3A_163 : vector<16xi32>
        %parallel_loop3A_165 = arith.select %parallel_loop3A_161, %parallel_loop3A_164, %xor3A_24 : vector<16xi1>, vector<16xi32>
        %parallel_loop3A_166 = vector.shape_cast %parallel_loop3A_165 : vector<16xi32> to vector<16x1xi32>
        %parallel_loop3A_167 = vector.shape_cast %parallel_loop3A_166 : vector<16x1xi32> to vector<16xi32>
        %parallel_loop3A_168 = tpu.dynamic_gather %parallel_loop3A_147[%parallel_loop3A_167] in [0] : vector<16xf32>, vector<16xi32> -> vector<16xf32>
        %parallel_loop3A_169 = arith.addf %parallel_loop3A_147, %parallel_loop3A_168 : vector<16xf32>
        %parallel_loop3A_170 = arith.select %eq3A_4, %parallel_loop3A_158, %parallel_loop3A_169 : vector<16xi1>, vector<16xf32>
        %parallel_loop3A_171 = arith.constant 4 : i32
        %parallel_loop3A_172 = arith.addi %parallel_loop3A_135, %parallel_loop3A_171 : i32
        %parallel_loop3A_173 = arith.index_cast %parallel_loop3A_172 : i32 to index
        %parallel_loop3A_174 = arith.constant 0 : index
        %parallel_loop3A_175 = tpu.vector_load %arg20[%parallel_loop3A_173, %parallel_loop3A_174] {strides = array<i32>} : memref<128x16xf32, #tpu.memory_space<vmem>>, vector<1x16xf32>,
        %parallel_loop3A_176 = vector.shape_cast %parallel_loop3A_175 : vector<1x16xf32> to vector<16xf32>
        %parallel_loop3A_177 = arith.constant 12 : i32
        %parallel_loop3A_178 = arith.addi %parallel_loop3A_135, %parallel_loop3A_177 : i32
        %parallel_loop3A_179 = arith.index_cast %parallel_loop3A_178 : i32 to index
        %parallel_loop3A_180 = arith.constant 0 : index
        %parallel_loop3A_181 = tpu.vector_load %arg20[%parallel_loop3A_179, %parallel_loop3A_180] {strides = array<i32>} : memref<128x16xf32, #tpu.memory_space<vmem>>, vector<1x16xf32>,
        %parallel_loop3A_182 = vector.shape_cast %parallel_loop3A_181 : vector<1x16xf32> to vector<16xf32>
        %parallel_loop3A_183 = arith.constant 0 : i32
        %parallel_loop3A_184 = vector.broadcast %parallel_loop3A_183 : i32 to vector<16xi32>
        %parallel_loop3A_185 = arith.cmpi slt, %xor3A_24, %parallel_loop3A_184 : vector<16xi32>
        %parallel_loop3A_186 = arith.constant 16 : i32
        %parallel_loop3A_187 = vector.broadcast %parallel_loop3A_186 : i32 to vector<16xi32>
        %parallel_loop3A_188 = arith.addi %xor3A_24, %parallel_loop3A_187 : vector<16xi32>
        %parallel_loop3A_189 = arith.select %parallel_loop3A_185, %parallel_loop3A_188, %xor3A_24 : vector<16xi1>, vector<16xi32>
        %parallel_loop3A_190 = vector.shape_cast %parallel_loop3A_189 : vector<16xi32> to vector<16x1xi32>
        %parallel_loop3A_191 = vector.shape_cast %parallel_loop3A_190 : vector<16x1xi32> to vector<16xi32>
        %parallel_loop3A_192 = tpu.dynamic_gather %parallel_loop3A_176[%parallel_loop3A_191] in [0] : vector<16xf32>, vector<16xi32> -> vector<16xf32>
        %parallel_loop3A_193 = arith.addf %parallel_loop3A_176, %parallel_loop3A_192 : vector<16xf32>
        %parallel_loop3A_194 = arith.constant 0 : i32
        %parallel_loop3A_195 = vector.broadcast %parallel_loop3A_194 : i32 to vector<16xi32>
        %parallel_loop3A_196 = arith.cmpi slt, %xor3A_24, %parallel_loop3A_195 : vector<16xi32>
        %parallel_loop3A_197 = arith.constant 16 : i32
        %parallel_loop3A_198 = vector.broadcast %parallel_loop3A_197 : i32 to vector<16xi32>
        %parallel_loop3A_199 = arith.addi %xor3A_24, %parallel_loop3A_198 : vector<16xi32>
        %parallel_loop3A_200 = arith.select %parallel_loop3A_196, %parallel_loop3A_199, %xor3A_24 : vector<16xi1>, vector<16xi32>
        %parallel_loop3A_201 = vector.shape_cast %parallel_loop3A_200 : vector<16xi32> to vector<16x1xi32>
        %parallel_loop3A_202 = vector.shape_cast %parallel_loop3A_201 : vector<16x1xi32> to vector<16xi32>
        %parallel_loop3A_203 = tpu.dynamic_gather %parallel_loop3A_182[%parallel_loop3A_202] in [0] : vector<16xf32>, vector<16xi32> -> vector<16xf32>
        %parallel_loop3A_204 = arith.addf %parallel_loop3A_182, %parallel_loop3A_203 : vector<16xf32>
        %parallel_loop3A_205 = arith.select %eq3A_4, %parallel_loop3A_193, %parallel_loop3A_204 : vector<16xi1>, vector<16xf32>
        %parallel_loop3A_206 = arith.constant 0 : i32
        %parallel_loop3A_207 = vector.broadcast %parallel_loop3A_206 : i32 to vector<16xi32>
        %parallel_loop3A_208 = arith.cmpi slt, %xor3A_27, %parallel_loop3A_207 : vector<16xi32>
        %parallel_loop3A_209 = arith.constant 16 : i32
        %parallel_loop3A_210 = vector.broadcast %parallel_loop3A_209 : i32 to vector<16xi32>
        %parallel_loop3A_211 = arith.addi %xor3A_27, %parallel_loop3A_210 : vector<16xi32>
        %parallel_loop3A_212 = arith.select %parallel_loop3A_208, %parallel_loop3A_211, %xor3A_27 : vector<16xi1>, vector<16xi32>
        %parallel_loop3A_213 = vector.shape_cast %parallel_loop3A_212 : vector<16xi32> to vector<16x1xi32>
        %parallel_loop3A_214 = vector.shape_cast %parallel_loop3A_213 : vector<16x1xi32> to vector<16xi32>
        %parallel_loop3A_215 = tpu.dynamic_gather %parallel_loop3A_170[%parallel_loop3A_214] in [0] : vector<16xf32>, vector<16xi32> -> vector<16xf32>
        %parallel_loop3A_216 = arith.addf %parallel_loop3A_170, %parallel_loop3A_215 : vector<16xf32>
        %parallel_loop3A_217 = arith.constant 0 : i32
        %parallel_loop3A_218 = vector.broadcast %parallel_loop3A_217 : i32 to vector<16xi32>
        %parallel_loop3A_219 = arith.cmpi slt, %xor3A_27, %parallel_loop3A_218 : vector<16xi32>
        %parallel_loop3A_220 = arith.constant 16 : i32
        %parallel_loop3A_221 = vector.broadcast %parallel_loop3A_220 : i32 to vector<16xi32>
        %parallel_loop3A_222 = arith.addi %xor3A_27, %parallel_loop3A_221 : vector<16xi32>
        %parallel_loop3A_223 = arith.select %parallel_loop3A_219, %parallel_loop3A_222, %xor3A_27 : vector<16xi1>, vector<16xi32>
        %parallel_loop3A_224 = vector.shape_cast %parallel_loop3A_223 : vector<16xi32> to vector<16x1xi32>
        %parallel_loop3A_225 = vector.shape_cast %parallel_loop3A_224 : vector<16x1xi32> to vector<16xi32>
        %parallel_loop3A_226 = tpu.dynamic_gather %parallel_loop3A_205[%parallel_loop3A_225] in [0] : vector<16xf32>, vector<16xi32> -> vector<16xf32>
        %parallel_loop3A_227 = arith.addf %parallel_loop3A_205, %parallel_loop3A_226 : vector<16xf32>
        %parallel_loop3A_228 = arith.select %eq3A_10, %parallel_loop3A_216, %parallel_loop3A_227 : vector<16xi1>, vector<16xf32>
        %parallel_loop3A_229 = arith.constant 2 : i32
        %parallel_loop3A_230 = arith.addi %parallel_loop3A_135, %parallel_loop3A_229 : i32
        %parallel_loop3A_231 = arith.index_cast %parallel_loop3A_230 : i32 to index
        %parallel_loop3A_232 = arith.constant 0 : index
        %parallel_loop3A_233 = tpu.vector_load %arg20[%parallel_loop3A_231, %parallel_loop3A_232] {strides = array<i32>} : memref<128x16xf32, #tpu.memory_space<vmem>>, vector<1x16xf32>,
        %parallel_loop3A_234 = vector.shape_cast %parallel_loop3A_233 : vector<1x16xf32> to vector<16xf32>
        %parallel_loop3A_235 = arith.constant 10 : i32
        %parallel_loop3A_236 = arith.addi %parallel_loop3A_135, %parallel_loop3A_235 : i32
        %parallel_loop3A_237 = arith.index_cast %parallel_loop3A_236 : i32 to index
        %parallel_loop3A_238 = arith.constant 0 : index
        %parallel_loop3A_239 = tpu.vector_load %arg20[%parallel_loop3A_237, %parallel_loop3A_238] {strides = array<i32>} : memref<128x16xf32, #tpu.memory_space<vmem>>, vector<1x16xf32>,
        %parallel_loop3A_240 = vector.shape_cast %parallel_loop3A_239 : vector<1x16xf32> to vector<16xf32>
        %parallel_loop3A_241 = arith.constant 0 : i32
        %parallel_loop3A_242 = vector.broadcast %parallel_loop3A_241 : i32 to vector<16xi32>
        %parallel_loop3A_243 = arith.cmpi slt, %xor3A_24, %parallel_loop3A_242 : vector<16xi32>
        %parallel_loop3A_244 = arith.constant 16 : i32
        %parallel_loop3A_245 = vector.broadcast %parallel_loop3A_244 : i32 to vector<16xi32>
        %parallel_loop3A_246 = arith.addi %xor3A_24, %parallel_loop3A_245 : vector<16xi32>
        %parallel_loop3A_247 = arith.select %parallel_loop3A_243, %parallel_loop3A_246, %xor3A_24 : vector<16xi1>, vector<16xi32>
        %parallel_loop3A_248 = vector.shape_cast %parallel_loop3A_247 : vector<16xi32> to vector<16x1xi32>
        %parallel_loop3A_249 = vector.shape_cast %parallel_loop3A_248 : vector<16x1xi32> to vector<16xi32>
        %parallel_loop3A_250 = tpu.dynamic_gather %parallel_loop3A_234[%parallel_loop3A_249] in [0] : vector<16xf32>, vector<16xi32> -> vector<16xf32>
        %parallel_loop3A_251 = arith.addf %parallel_loop3A_234, %parallel_loop3A_250 : vector<16xf32>
        %parallel_loop3A_252 = arith.constant 0 : i32
        %parallel_loop3A_253 = vector.broadcast %parallel_loop3A_252 : i32 to vector<16xi32>
        %parallel_loop3A_254 = arith.cmpi slt, %xor3A_24, %parallel_loop3A_253 : vector<16xi32>
        %parallel_loop3A_255 = arith.constant 16 : i32
        %parallel_loop3A_256 = vector.broadcast %parallel_loop3A_255 : i32 to vector<16xi32>
        %parallel_loop3A_257 = arith.addi %xor3A_24, %parallel_loop3A_256 : vector<16xi32>
        %parallel_loop3A_258 = arith.select %parallel_loop3A_254, %parallel_loop3A_257, %xor3A_24 : vector<16xi1>, vector<16xi32>
        %parallel_loop3A_259 = vector.shape_cast %parallel_loop3A_258 : vector<16xi32> to vector<16x1xi32>
        %parallel_loop3A_260 = vector.shape_cast %parallel_loop3A_259 : vector<16x1xi32> to vector<16xi32>
        %parallel_loop3A_261 = tpu.dynamic_gather %parallel_loop3A_240[%parallel_loop3A_260] in [0] : vector<16xf32>, vector<16xi32> -> vector<16xf32>
        %parallel_loop3A_262 = arith.addf %parallel_loop3A_240, %parallel_loop3A_261 : vector<16xf32>
        %parallel_loop3A_263 = arith.select %eq3A_4, %parallel_loop3A_251, %parallel_loop3A_262 : vector<16xi1>, vector<16xf32>
        %parallel_loop3A_264 = arith.constant 6 : i32
        %parallel_loop3A_265 = arith.addi %parallel_loop3A_135, %parallel_loop3A_264 : i32
        %parallel_loop3A_266 = arith.index_cast %parallel_loop3A_265 : i32 to index
        %parallel_loop3A_267 = arith.constant 0 : index
        %parallel_loop3A_268 = tpu.vector_load %arg20[%parallel_loop3A_266, %parallel_loop3A_267] {strides = array<i32>} : memref<128x16xf32, #tpu.memory_space<vmem>>, vector<1x16xf32>,
        %parallel_loop3A_269 = vector.shape_cast %parallel_loop3A_268 : vector<1x16xf32> to vector<16xf32>
        %parallel_loop3A_270 = arith.constant 14 : i32
        %parallel_loop3A_271 = arith.addi %parallel_loop3A_135, %parallel_loop3A_270 : i32
        %parallel_loop3A_272 = arith.index_cast %parallel_loop3A_271 : i32 to index
        %parallel_loop3A_273 = arith.constant 0 : index
        %parallel_loop3A_274 = tpu.vector_load %arg20[%parallel_loop3A_272, %parallel_loop3A_273] {strides = array<i32>} : memref<128x16xf32, #tpu.memory_space<vmem>>, vector<1x16xf32>,
        %parallel_loop3A_275 = vector.shape_cast %parallel_loop3A_274 : vector<1x16xf32> to vector<16xf32>
        %parallel_loop3A_276 = arith.constant 0 : i32
        %parallel_loop3A_277 = vector.broadcast %parallel_loop3A_276 : i32 to vector<16xi32>
        %parallel_loop3A_278 = arith.cmpi slt, %xor3A_24, %parallel_loop3A_277 : vector<16xi32>
        %parallel_loop3A_279 = arith.constant 16 : i32
        %parallel_loop3A_280 = vector.broadcast %parallel_loop3A_279 : i32 to vector<16xi32>
        %parallel_loop3A_281 = arith.addi %xor3A_24, %parallel_loop3A_280 : vector<16xi32>
        %parallel_loop3A_282 = arith.select %parallel_loop3A_278, %parallel_loop3A_281, %xor3A_24 : vector<16xi1>, vector<16xi32>
        %parallel_loop3A_283 = vector.shape_cast %parallel_loop3A_282 : vector<16xi32> to vector<16x1xi32>
        %parallel_loop3A_284 = vector.shape_cast %parallel_loop3A_283 : vector<16x1xi32> to vector<16xi32>
        %parallel_loop3A_285 = tpu.dynamic_gather %parallel_loop3A_269[%parallel_loop3A_284] in [0] : vector<16xf32>, vector<16xi32> -> vector<16xf32>
        %parallel_loop3A_286 = arith.addf %parallel_loop3A_269, %parallel_loop3A_285 : vector<16xf32>
        %parallel_loop3A_287 = arith.constant 0 : i32
        %parallel_loop3A_288 = vector.broadcast %parallel_loop3A_287 : i32 to vector<16xi32>
        %parallel_loop3A_289 = arith.cmpi slt, %xor3A_24, %parallel_loop3A_288 : vector<16xi32>
        %parallel_loop3A_290 = arith.constant 16 : i32
        %parallel_loop3A_291 = vector.broadcast %parallel_loop3A_290 : i32 to vector<16xi32>
        %parallel_loop3A_292 = arith.addi %xor3A_24, %parallel_loop3A_291 : vector<16xi32>
        %parallel_loop3A_293 = arith.select %parallel_loop3A_289, %parallel_loop3A_292, %xor3A_24 : vector<16xi1>, vector<16xi32>
        %parallel_loop3A_294 = vector.shape_cast %parallel_loop3A_293 : vector<16xi32> to vector<16x1xi32>
        %parallel_loop3A_295 = vector.shape_cast %parallel_loop3A_294 : vector<16x1xi32> to vector<16xi32>
        %parallel_loop3A_296 = tpu.dynamic_gather %parallel_loop3A_275[%parallel_loop3A_295] in [0] : vector<16xf32>, vector<16xi32> -> vector<16xf32>
        %parallel_loop3A_297 = arith.addf %parallel_loop3A_275, %parallel_loop3A_296 : vector<16xf32>
        %parallel_loop3A_298 = arith.select %eq3A_4, %parallel_loop3A_286, %parallel_loop3A_297 : vector<16xi1>, vector<16xf32>
        %parallel_loop3A_299 = arith.constant 0 : i32
        %parallel_loop3A_300 = vector.broadcast %parallel_loop3A_299 : i32 to vector<16xi32>
        %parallel_loop3A_301 = arith.cmpi slt, %xor3A_27, %parallel_loop3A_300 : vector<16xi32>
        %parallel_loop3A_302 = arith.constant 16 : i32
        %parallel_loop3A_303 = vector.broadcast %parallel_loop3A_302 : i32 to vector<16xi32>
        %parallel_loop3A_304 = arith.addi %xor3A_27, %parallel_loop3A_303 : vector<16xi32>
        %parallel_loop3A_305 = arith.select %parallel_loop3A_301, %parallel_loop3A_304, %xor3A_27 : vector<16xi1>, vector<16xi32>
        %parallel_loop3A_306 = vector.shape_cast %parallel_loop3A_305 : vector<16xi32> to vector<16x1xi32>
        %parallel_loop3A_307 = vector.shape_cast %parallel_loop3A_306 : vector<16x1xi32> to vector<16xi32>
        %parallel_loop3A_308 = tpu.dynamic_gather %parallel_loop3A_263[%parallel_loop3A_307] in [0] : vector<16xf32>, vector<16xi32> -> vector<16xf32>
        %parallel_loop3A_309 = arith.addf %parallel_loop3A_263, %parallel_loop3A_308 : vector<16xf32>
        %parallel_loop3A_310 = arith.constant 0 : i32
        %parallel_loop3A_311 = vector.broadcast %parallel_loop3A_310 : i32 to vector<16xi32>
        %parallel_loop3A_312 = arith.cmpi slt, %xor3A_27, %parallel_loop3A_311 : vector<16xi32>
        %parallel_loop3A_313 = arith.constant 16 : i32
        %parallel_loop3A_314 = vector.broadcast %parallel_loop3A_313 : i32 to vector<16xi32>
        %parallel_loop3A_315 = arith.addi %xor3A_27, %parallel_loop3A_314 : vector<16xi32>
        %parallel_loop3A_316 = arith.select %parallel_loop3A_312, %parallel_loop3A_315, %xor3A_27 : vector<16xi1>, vector<16xi32>
        %parallel_loop3A_317 = vector.shape_cast %parallel_loop3A_316 : vector<16xi32> to vector<16x1xi32>
        %parallel_loop3A_318 = vector.shape_cast %parallel_loop3A_317 : vector<16x1xi32> to vector<16xi32>
        %parallel_loop3A_319 = tpu.dynamic_gather %parallel_loop3A_298[%parallel_loop3A_318] in [0] : vector<16xf32>, vector<16xi32> -> vector<16xf32>
        %parallel_loop3A_320 = arith.addf %parallel_loop3A_298, %parallel_loop3A_319 : vector<16xf32>
        %parallel_loop3A_321 = arith.select %eq3A_10, %parallel_loop3A_309, %parallel_loop3A_320 : vector<16xi1>, vector<16xf32>
        %parallel_loop3A_322 = arith.constant 0 : i32
        %parallel_loop3A_323 = vector.broadcast %parallel_loop3A_322 : i32 to vector<16xi32>
        %parallel_loop3A_324 = arith.cmpi slt, %xor3A_30, %parallel_loop3A_323 : vector<16xi32>
        %parallel_loop3A_325 = arith.constant 16 : i32
        %parallel_loop3A_326 = vector.broadcast %parallel_loop3A_325 : i32 to vector<16xi32>
        %parallel_loop3A_327 = arith.addi %xor3A_30, %parallel_loop3A_326 : vector<16xi32>
        %parallel_loop3A_328 = arith.select %parallel_loop3A_324, %parallel_loop3A_327, %xor3A_30 : vector<16xi1>, vector<16xi32>
        %parallel_loop3A_329 = vector.shape_cast %parallel_loop3A_328 : vector<16xi32> to vector<16x1xi32>
        %parallel_loop3A_330 = vector.shape_cast %parallel_loop3A_329 : vector<16x1xi32> to vector<16xi32>
        %parallel_loop3A_331 = tpu.dynamic_gather %parallel_loop3A_228[%parallel_loop3A_330] in [0] : vector<16xf32>, vector<16xi32> -> vector<16xf32>
        %parallel_loop3A_332 = arith.addf %parallel_loop3A_228, %parallel_loop3A_331 : vector<16xf32>
        %parallel_loop3A_333 = arith.constant 0 : i32
        %parallel_loop3A_334 = vector.broadcast %parallel_loop3A_333 : i32 to vector<16xi32>
        %parallel_loop3A_335 = arith.cmpi slt, %xor3A_30, %parallel_loop3A_334 : vector<16xi32>
        %parallel_loop3A_336 = arith.constant 16 : i32
        %parallel_loop3A_337 = vector.broadcast %parallel_loop3A_336 : i32 to vector<16xi32>
        %parallel_loop3A_338 = arith.addi %xor3A_30, %parallel_loop3A_337 : vector<16xi32>
        %parallel_loop3A_339 = arith.select %parallel_loop3A_335, %parallel_loop3A_338, %xor3A_30 : vector<16xi1>, vector<16xi32>
        %parallel_loop3A_340 = vector.shape_cast %parallel_loop3A_339 : vector<16xi32> to vector<16x1xi32>
        %parallel_loop3A_341 = vector.shape_cast %parallel_loop3A_340 : vector<16x1xi32> to vector<16xi32>
        %parallel_loop3A_342 = tpu.dynamic_gather %parallel_loop3A_321[%parallel_loop3A_341] in [0] : vector<16xf32>, vector<16xi32> -> vector<16xf32>
        %parallel_loop3A_343 = arith.addf %parallel_loop3A_321, %parallel_loop3A_342 : vector<16xf32>
        %parallel_loop3A_344 = arith.select %eq3A_16, %parallel_loop3A_332, %parallel_loop3A_343 : vector<16xi1>, vector<16xf32>
        %parallel_loop3A_345 = arith.constant 1 : i32
        %parallel_loop3A_346 = arith.addi %parallel_loop3A_135, %parallel_loop3A_345 : i32
        %parallel_loop3A_347 = arith.index_cast %parallel_loop3A_346 : i32 to index
        %parallel_loop3A_348 = arith.constant 0 : index
        %parallel_loop3A_349 = tpu.vector_load %arg20[%parallel_loop3A_347, %parallel_loop3A_348] {strides = array<i32>} : memref<128x16xf32, #tpu.memory_space<vmem>>, vector<1x16xf32>,
        %parallel_loop3A_350 = vector.shape_cast %parallel_loop3A_349 : vector<1x16xf32> to vector<16xf32>
        %parallel_loop3A_351 = arith.constant 9 : i32
        %parallel_loop3A_352 = arith.addi %parallel_loop3A_135, %parallel_loop3A_351 : i32
        %parallel_loop3A_353 = arith.index_cast %parallel_loop3A_352 : i32 to index
        %parallel_loop3A_354 = arith.constant 0 : index
        %parallel_loop3A_355 = tpu.vector_load %arg20[%parallel_loop3A_353, %parallel_loop3A_354] {strides = array<i32>} : memref<128x16xf32, #tpu.memory_space<vmem>>, vector<1x16xf32>,
        %parallel_loop3A_356 = vector.shape_cast %parallel_loop3A_355 : vector<1x16xf32> to vector<16xf32>
        %parallel_loop3A_357 = arith.constant 0 : i32
        %parallel_loop3A_358 = vector.broadcast %parallel_loop3A_357 : i32 to vector<16xi32>
        %parallel_loop3A_359 = arith.cmpi slt, %xor3A_24, %parallel_loop3A_358 : vector<16xi32>
        %parallel_loop3A_360 = arith.constant 16 : i32
        %parallel_loop3A_361 = vector.broadcast %parallel_loop3A_360 : i32 to vector<16xi32>
        %parallel_loop3A_362 = arith.addi %xor3A_24, %parallel_loop3A_361 : vector<16xi32>
        %parallel_loop3A_363 = arith.select %parallel_loop3A_359, %parallel_loop3A_362, %xor3A_24 : vector<16xi1>, vector<16xi32>
        %parallel_loop3A_364 = vector.shape_cast %parallel_loop3A_363 : vector<16xi32> to vector<16x1xi32>
        %parallel_loop3A_365 = vector.shape_cast %parallel_loop3A_364 : vector<16x1xi32> to vector<16xi32>
        %parallel_loop3A_366 = tpu.dynamic_gather %parallel_loop3A_350[%parallel_loop3A_365] in [0] : vector<16xf32>, vector<16xi32> -> vector<16xf32>
        %parallel_loop3A_367 = arith.addf %parallel_loop3A_350, %parallel_loop3A_366 : vector<16xf32>
        %parallel_loop3A_368 = arith.constant 0 : i32
        %parallel_loop3A_369 = vector.broadcast %parallel_loop3A_368 : i32 to vector<16xi32>
        %parallel_loop3A_370 = arith.cmpi slt, %xor3A_24, %parallel_loop3A_369 : vector<16xi32>
        %parallel_loop3A_371 = arith.constant 16 : i32
        %parallel_loop3A_372 = vector.broadcast %parallel_loop3A_371 : i32 to vector<16xi32>
        %parallel_loop3A_373 = arith.addi %xor3A_24, %parallel_loop3A_372 : vector<16xi32>
        %parallel_loop3A_374 = arith.select %parallel_loop3A_370, %parallel_loop3A_373, %xor3A_24 : vector<16xi1>, vector<16xi32>
        %parallel_loop3A_375 = vector.shape_cast %parallel_loop3A_374 : vector<16xi32> to vector<16x1xi32>
        %parallel_loop3A_376 = vector.shape_cast %parallel_loop3A_375 : vector<16x1xi32> to vector<16xi32>
        %parallel_loop3A_377 = tpu.dynamic_gather %parallel_loop3A_356[%parallel_loop3A_376] in [0] : vector<16xf32>, vector<16xi32> -> vector<16xf32>
        %parallel_loop3A_378 = arith.addf %parallel_loop3A_356, %parallel_loop3A_377 : vector<16xf32>
        %parallel_loop3A_379 = arith.select %eq3A_4, %parallel_loop3A_367, %parallel_loop3A_378 : vector<16xi1>, vector<16xf32>
        %parallel_loop3A_380 = arith.constant 5 : i32
        %parallel_loop3A_381 = arith.addi %parallel_loop3A_135, %parallel_loop3A_380 : i32
        %parallel_loop3A_382 = arith.index_cast %parallel_loop3A_381 : i32 to index
        %parallel_loop3A_383 = arith.constant 0 : index
        %parallel_loop3A_384 = tpu.vector_load %arg20[%parallel_loop3A_382, %parallel_loop3A_383] {strides = array<i32>} : memref<128x16xf32, #tpu.memory_space<vmem>>, vector<1x16xf32>,
        %parallel_loop3A_385 = vector.shape_cast %parallel_loop3A_384 : vector<1x16xf32> to vector<16xf32>
        %parallel_loop3A_386 = arith.constant 13 : i32
        %parallel_loop3A_387 = arith.addi %parallel_loop3A_135, %parallel_loop3A_386 : i32
        %parallel_loop3A_388 = arith.index_cast %parallel_loop3A_387 : i32 to index
        %parallel_loop3A_389 = arith.constant 0 : index
        %parallel_loop3A_390 = tpu.vector_load %arg20[%parallel_loop3A_388, %parallel_loop3A_389] {strides = array<i32>} : memref<128x16xf32, #tpu.memory_space<vmem>>, vector<1x16xf32>,
        %parallel_loop3A_391 = vector.shape_cast %parallel_loop3A_390 : vector<1x16xf32> to vector<16xf32>
        %parallel_loop3A_392 = arith.constant 0 : i32
        %parallel_loop3A_393 = vector.broadcast %parallel_loop3A_392 : i32 to vector<16xi32>
        %parallel_loop3A_394 = arith.cmpi slt, %xor3A_24, %parallel_loop3A_393 : vector<16xi32>
        %parallel_loop3A_395 = arith.constant 16 : i32
        %parallel_loop3A_396 = vector.broadcast %parallel_loop3A_395 : i32 to vector<16xi32>
        %parallel_loop3A_397 = arith.addi %xor3A_24, %parallel_loop3A_396 : vector<16xi32>
        %parallel_loop3A_398 = arith.select %parallel_loop3A_394, %parallel_loop3A_397, %xor3A_24 : vector<16xi1>, vector<16xi32>
        %parallel_loop3A_399 = vector.shape_cast %parallel_loop3A_398 : vector<16xi32> to vector<16x1xi32>
        %parallel_loop3A_400 = vector.shape_cast %parallel_loop3A_399 : vector<16x1xi32> to vector<16xi32>
        %parallel_loop3A_401 = tpu.dynamic_gather %parallel_loop3A_385[%parallel_loop3A_400] in [0] : vector<16xf32>, vector<16xi32> -> vector<16xf32>
        %parallel_loop3A_402 = arith.addf %parallel_loop3A_385, %parallel_loop3A_401 : vector<16xf32>
        %parallel_loop3A_403 = arith.constant 0 : i32
        %parallel_loop3A_404 = vector.broadcast %parallel_loop3A_403 : i32 to vector<16xi32>
        %parallel_loop3A_405 = arith.cmpi slt, %xor3A_24, %parallel_loop3A_404 : vector<16xi32>
        %parallel_loop3A_406 = arith.constant 16 : i32
        %parallel_loop3A_407 = vector.broadcast %parallel_loop3A_406 : i32 to vector<16xi32>
        %parallel_loop3A_408 = arith.addi %xor3A_24, %parallel_loop3A_407 : vector<16xi32>
        %parallel_loop3A_409 = arith.select %parallel_loop3A_405, %parallel_loop3A_408, %xor3A_24 : vector<16xi1>, vector<16xi32>
        %parallel_loop3A_410 = vector.shape_cast %parallel_loop3A_409 : vector<16xi32> to vector<16x1xi32>
        %parallel_loop3A_411 = vector.shape_cast %parallel_loop3A_410 : vector<16x1xi32> to vector<16xi32>
        %parallel_loop3A_412 = tpu.dynamic_gather %parallel_loop3A_391[%parallel_loop3A_411] in [0] : vector<16xf32>, vector<16xi32> -> vector<16xf32>
        %parallel_loop3A_413 = arith.addf %parallel_loop3A_391, %parallel_loop3A_412 : vector<16xf32>
        %parallel_loop3A_414 = arith.select %eq3A_4, %parallel_loop3A_402, %parallel_loop3A_413 : vector<16xi1>, vector<16xf32>
        %parallel_loop3A_415 = arith.constant 0 : i32
        %parallel_loop3A_416 = vector.broadcast %parallel_loop3A_415 : i32 to vector<16xi32>
        %parallel_loop3A_417 = arith.cmpi slt, %xor3A_27, %parallel_loop3A_416 : vector<16xi32>
        %parallel_loop3A_418 = arith.constant 16 : i32
        %parallel_loop3A_419 = vector.broadcast %parallel_loop3A_418 : i32 to vector<16xi32>
        %parallel_loop3A_420 = arith.addi %xor3A_27, %parallel_loop3A_419 : vector<16xi32>
        %parallel_loop3A_421 = arith.select %parallel_loop3A_417, %parallel_loop3A_420, %xor3A_27 : vector<16xi1>, vector<16xi32>
        %parallel_loop3A_422 = vector.shape_cast %parallel_loop3A_421 : vector<16xi32> to vector<16x1xi32>
        %parallel_loop3A_423 = vector.shape_cast %parallel_loop3A_422 : vector<16x1xi32> to vector<16xi32>
        %parallel_loop3A_424 = tpu.dynamic_gather %parallel_loop3A_379[%parallel_loop3A_423] in [0] : vector<16xf32>, vector<16xi32> -> vector<16xf32>
        %parallel_loop3A_425 = arith.addf %parallel_loop3A_379, %parallel_loop3A_424 : vector<16xf32>
        %parallel_loop3A_426 = arith.constant 0 : i32
        %parallel_loop3A_427 = vector.broadcast %parallel_loop3A_426 : i32 to vector<16xi32>
        %parallel_loop3A_428 = arith.cmpi slt, %xor3A_27, %parallel_loop3A_427 : vector<16xi32>
        %parallel_loop3A_429 = arith.constant 16 : i32
        %parallel_loop3A_430 = vector.broadcast %parallel_loop3A_429 : i32 to vector<16xi32>
        %parallel_loop3A_431 = arith.addi %xor3A_27, %parallel_loop3A_430 : vector<16xi32>
        %parallel_loop3A_432 = arith.select %parallel_loop3A_428, %parallel_loop3A_431, %xor3A_27 : vector<16xi1>, vector<16xi32>
        %parallel_loop3A_433 = vector.shape_cast %parallel_loop3A_432 : vector<16xi32> to vector<16x1xi32>
        %parallel_loop3A_434 = vector.shape_cast %parallel_loop3A_433 : vector<16x1xi32> to vector<16xi32>
        %parallel_loop3A_435 = tpu.dynamic_gather %parallel_loop3A_414[%parallel_loop3A_434] in [0] : vector<16xf32>, vector<16xi32> -> vector<16xf32>
        %parallel_loop3A_436 = arith.addf %parallel_loop3A_414, %parallel_loop3A_435 : vector<16xf32>
        %parallel_loop3A_437 = arith.select %eq3A_10, %parallel_loop3A_425, %parallel_loop3A_436 : vector<16xi1>, vector<16xf32>
        %parallel_loop3A_438 = arith.constant 3 : i32
        %parallel_loop3A_439 = arith.addi %parallel_loop3A_135, %parallel_loop3A_438 : i32
        %parallel_loop3A_440 = arith.index_cast %parallel_loop3A_439 : i32 to index
        %parallel_loop3A_441 = arith.constant 0 : index
        %parallel_loop3A_442 = tpu.vector_load %arg20[%parallel_loop3A_440, %parallel_loop3A_441] {strides = array<i32>} : memref<128x16xf32, #tpu.memory_space<vmem>>, vector<1x16xf32>,
        %parallel_loop3A_443 = vector.shape_cast %parallel_loop3A_442 : vector<1x16xf32> to vector<16xf32>
        %parallel_loop3A_444 = arith.constant 11 : i32
        %parallel_loop3A_445 = arith.addi %parallel_loop3A_135, %parallel_loop3A_444 : i32
        %parallel_loop3A_446 = arith.index_cast %parallel_loop3A_445 : i32 to index
        %parallel_loop3A_447 = arith.constant 0 : index
        %parallel_loop3A_448 = tpu.vector_load %arg20[%parallel_loop3A_446, %parallel_loop3A_447] {strides = array<i32>} : memref<128x16xf32, #tpu.memory_space<vmem>>, vector<1x16xf32>,
        %parallel_loop3A_449 = vector.shape_cast %parallel_loop3A_448 : vector<1x16xf32> to vector<16xf32>
        %parallel_loop3A_450 = arith.constant 0 : i32
        %parallel_loop3A_451 = vector.broadcast %parallel_loop3A_450 : i32 to vector<16xi32>
        %parallel_loop3A_452 = arith.cmpi slt, %xor3A_24, %parallel_loop3A_451 : vector<16xi32>
        %parallel_loop3A_453 = arith.constant 16 : i32
        %parallel_loop3A_454 = vector.broadcast %parallel_loop3A_453 : i32 to vector<16xi32>
        %parallel_loop3A_455 = arith.addi %xor3A_24, %parallel_loop3A_454 : vector<16xi32>
        %parallel_loop3A_456 = arith.select %parallel_loop3A_452, %parallel_loop3A_455, %xor3A_24 : vector<16xi1>, vector<16xi32>
        %parallel_loop3A_457 = vector.shape_cast %parallel_loop3A_456 : vector<16xi32> to vector<16x1xi32>
        %parallel_loop3A_458 = vector.shape_cast %parallel_loop3A_457 : vector<16x1xi32> to vector<16xi32>
        %parallel_loop3A_459 = tpu.dynamic_gather %parallel_loop3A_443[%parallel_loop3A_458] in [0] : vector<16xf32>, vector<16xi32> -> vector<16xf32>
        %parallel_loop3A_460 = arith.addf %parallel_loop3A_443, %parallel_loop3A_459 : vector<16xf32>
        %parallel_loop3A_461 = arith.constant 0 : i32
        %parallel_loop3A_462 = vector.broadcast %parallel_loop3A_461 : i32 to vector<16xi32>
        %parallel_loop3A_463 = arith.cmpi slt, %xor3A_24, %parallel_loop3A_462 : vector<16xi32>
        %parallel_loop3A_464 = arith.constant 16 : i32
        %parallel_loop3A_465 = vector.broadcast %parallel_loop3A_464 : i32 to vector<16xi32>
        %parallel_loop3A_466 = arith.addi %xor3A_24, %parallel_loop3A_465 : vector<16xi32>
        %parallel_loop3A_467 = arith.select %parallel_loop3A_463, %parallel_loop3A_466, %xor3A_24 : vector<16xi1>, vector<16xi32>
        %parallel_loop3A_468 = vector.shape_cast %parallel_loop3A_467 : vector<16xi32> to vector<16x1xi32>
        %parallel_loop3A_469 = vector.shape_cast %parallel_loop3A_468 : vector<16x1xi32> to vector<16xi32>
        %parallel_loop3A_470 = tpu.dynamic_gather %parallel_loop3A_449[%parallel_loop3A_469] in [0] : vector<16xf32>, vector<16xi32> -> vector<16xf32>
        %parallel_loop3A_471 = arith.addf %parallel_loop3A_449, %parallel_loop3A_470 : vector<16xf32>
        %parallel_loop3A_472 = arith.select %eq3A_4, %parallel_loop3A_460, %parallel_loop3A_471 : vector<16xi1>, vector<16xf32>
        %parallel_loop3A_473 = arith.constant 7 : i32
        %parallel_loop3A_474 = arith.addi %parallel_loop3A_135, %parallel_loop3A_473 : i32
        %parallel_loop3A_475 = arith.index_cast %parallel_loop3A_474 : i32 to index
        %parallel_loop3A_476 = arith.constant 0 : index
        %parallel_loop3A_477 = tpu.vector_load %arg20[%parallel_loop3A_475, %parallel_loop3A_476] {strides = array<i32>} : memref<128x16xf32, #tpu.memory_space<vmem>>, vector<1x16xf32>,
        %parallel_loop3A_478 = vector.shape_cast %parallel_loop3A_477 : vector<1x16xf32> to vector<16xf32>
        %parallel_loop3A_479 = arith.constant 15 : i32
        %parallel_loop3A_480 = arith.addi %parallel_loop3A_135, %parallel_loop3A_479 : i32
        %parallel_loop3A_481 = arith.index_cast %parallel_loop3A_480 : i32 to index
        %parallel_loop3A_482 = arith.constant 0 : index
        %parallel_loop3A_483 = tpu.vector_load %arg20[%parallel_loop3A_481, %parallel_loop3A_482] {strides = array<i32>} : memref<128x16xf32, #tpu.memory_space<vmem>>, vector<1x16xf32>,
        %parallel_loop3A_484 = vector.shape_cast %parallel_loop3A_483 : vector<1x16xf32> to vector<16xf32>
        %parallel_loop3A_485 = arith.constant 0 : i32
        %parallel_loop3A_486 = vector.broadcast %parallel_loop3A_485 : i32 to vector<16xi32>
        %parallel_loop3A_487 = arith.cmpi slt, %xor3A_24, %parallel_loop3A_486 : vector<16xi32>
        %parallel_loop3A_488 = arith.constant 16 : i32
        %parallel_loop3A_489 = vector.broadcast %parallel_loop3A_488 : i32 to vector<16xi32>
        %parallel_loop3A_490 = arith.addi %xor3A_24, %parallel_loop3A_489 : vector<16xi32>
        %parallel_loop3A_491 = arith.select %parallel_loop3A_487, %parallel_loop3A_490, %xor3A_24 : vector<16xi1>, vector<16xi32>
        %parallel_loop3A_492 = vector.shape_cast %parallel_loop3A_491 : vector<16xi32> to vector<16x1xi32>
        %parallel_loop3A_493 = vector.shape_cast %parallel_loop3A_492 : vector<16x1xi32> to vector<16xi32>
        %parallel_loop3A_494 = tpu.dynamic_gather %parallel_loop3A_478[%parallel_loop3A_493] in [0] : vector<16xf32>, vector<16xi32> -> vector<16xf32>
        %parallel_loop3A_495 = arith.addf %parallel_loop3A_478, %parallel_loop3A_494 : vector<16xf32>
        %parallel_loop3A_496 = arith.constant 0 : i32
        %parallel_loop3A_497 = vector.broadcast %parallel_loop3A_496 : i32 to vector<16xi32>
        %parallel_loop3A_498 = arith.cmpi slt, %xor3A_24, %parallel_loop3A_497 : vector<16xi32>
        %parallel_loop3A_499 = arith.constant 16 : i32
        %parallel_loop3A_500 = vector.broadcast %parallel_loop3A_499 : i32 to vector<16xi32>
        %parallel_loop3A_501 = arith.addi %xor3A_24, %parallel_loop3A_500 : vector<16xi32>
        %parallel_loop3A_502 = arith.select %parallel_loop3A_498, %parallel_loop3A_501, %xor3A_24 : vector<16xi1>, vector<16xi32>
        %parallel_loop3A_503 = vector.shape_cast %parallel_loop3A_502 : vector<16xi32> to vector<16x1xi32>
        %parallel_loop3A_504 = vector.shape_cast %parallel_loop3A_503 : vector<16x1xi32> to vector<16xi32>
        %parallel_loop3A_505 = tpu.dynamic_gather %parallel_loop3A_484[%parallel_loop3A_504] in [0] : vector<16xf32>, vector<16xi32> -> vector<16xf32>
        %parallel_loop3A_506 = arith.addf %parallel_loop3A_484, %parallel_loop3A_505 : vector<16xf32>
        %parallel_loop3A_507 = arith.select %eq3A_4, %parallel_loop3A_495, %parallel_loop3A_506 : vector<16xi1>, vector<16xf32>
        %parallel_loop3A_508 = arith.constant 0 : i32
        %parallel_loop3A_509 = vector.broadcast %parallel_loop3A_508 : i32 to vector<16xi32>
        %parallel_loop3A_510 = arith.cmpi slt, %xor3A_27, %parallel_loop3A_509 : vector<16xi32>
        %parallel_loop3A_511 = arith.constant 16 : i32
        %parallel_loop3A_512 = vector.broadcast %parallel_loop3A_511 : i32 to vector<16xi32>
        %parallel_loop3A_513 = arith.addi %xor3A_27, %parallel_loop3A_512 : vector<16xi32>
        %parallel_loop3A_514 = arith.select %parallel_loop3A_510, %parallel_loop3A_513, %xor3A_27 : vector<16xi1>, vector<16xi32>
        %parallel_loop3A_515 = vector.shape_cast %parallel_loop3A_514 : vector<16xi32> to vector<16x1xi32>
        %parallel_loop3A_516 = vector.shape_cast %parallel_loop3A_515 : vector<16x1xi32> to vector<16xi32>
        %parallel_loop3A_517 = tpu.dynamic_gather %parallel_loop3A_472[%parallel_loop3A_516] in [0] : vector<16xf32>, vector<16xi32> -> vector<16xf32>
        %parallel_loop3A_518 = arith.addf %parallel_loop3A_472, %parallel_loop3A_517 : vector<16xf32>
        %parallel_loop3A_519 = arith.constant 0 : i32
        %parallel_loop3A_520 = vector.broadcast %parallel_loop3A_519 : i32 to vector<16xi32>
        %parallel_loop3A_521 = arith.cmpi slt, %xor3A_27, %parallel_loop3A_520 : vector<16xi32>
        %parallel_loop3A_522 = arith.constant 16 : i32
        %parallel_loop3A_523 = vector.broadcast %parallel_loop3A_522 : i32 to vector<16xi32>
        %parallel_loop3A_524 = arith.addi %xor3A_27, %parallel_loop3A_523 : vector<16xi32>
        %parallel_loop3A_525 = arith.select %parallel_loop3A_521, %parallel_loop3A_524, %xor3A_27 : vector<16xi1>, vector<16xi32>
        %parallel_loop3A_526 = vector.shape_cast %parallel_loop3A_525 : vector<16xi32> to vector<16x1xi32>
        %parallel_loop3A_527 = vector.shape_cast %parallel_loop3A_526 : vector<16x1xi32> to vector<16xi32>
        %parallel_loop3A_528 = tpu.dynamic_gather %parallel_loop3A_507[%parallel_loop3A_527] in [0] : vector<16xf32>, vector<16xi32> -> vector<16xf32>
        %parallel_loop3A_529 = arith.addf %parallel_loop3A_507, %parallel_loop3A_528 : vector<16xf32>
        %parallel_loop3A_530 = arith.select %eq3A_10, %parallel_loop3A_518, %parallel_loop3A_529 : vector<16xi1>, vector<16xf32>
        %parallel_loop3A_531 = arith.constant 0 : i32
        %parallel_loop3A_532 = vector.broadcast %parallel_loop3A_531 : i32 to vector<16xi32>
        %parallel_loop3A_533 = arith.cmpi slt, %xor3A_30, %parallel_loop3A_532 : vector<16xi32>
        %parallel_loop3A_534 = arith.constant 16 : i32
        %parallel_loop3A_535 = vector.broadcast %parallel_loop3A_534 : i32 to vector<16xi32>
        %parallel_loop3A_536 = arith.addi %xor3A_30, %parallel_loop3A_535 : vector<16xi32>
        %parallel_loop3A_537 = arith.select %parallel_loop3A_533, %parallel_loop3A_536, %xor3A_30 : vector<16xi1>, vector<16xi32>
        %parallel_loop3A_538 = vector.shape_cast %parallel_loop3A_537 : vector<16xi32> to vector<16x1xi32>
        %parallel_loop3A_539 = vector.shape_cast %parallel_loop3A_538 : vector<16x1xi32> to vector<16xi32>
        %parallel_loop3A_540 = tpu.dynamic_gather %parallel_loop3A_437[%parallel_loop3A_539] in [0] : vector<16xf32>, vector<16xi32> -> vector<16xf32>
        %parallel_loop3A_541 = arith.addf %parallel_loop3A_437, %parallel_loop3A_540 : vector<16xf32>
        %parallel_loop3A_542 = arith.constant 0 : i32
        %parallel_loop3A_543 = vector.broadcast %parallel_loop3A_542 : i32 to vector<16xi32>
        %parallel_loop3A_544 = arith.cmpi slt, %xor3A_30, %parallel_loop3A_543 : vector<16xi32>
        %parallel_loop3A_545 = arith.constant 16 : i32
        %parallel_loop3A_546 = vector.broadcast %parallel_loop3A_545 : i32 to vector<16xi32>
        %parallel_loop3A_547 = arith.addi %xor3A_30, %parallel_loop3A_546 : vector<16xi32>
        %parallel_loop3A_548 = arith.select %parallel_loop3A_544, %parallel_loop3A_547, %xor3A_30 : vector<16xi1>, vector<16xi32>
        %parallel_loop3A_549 = vector.shape_cast %parallel_loop3A_548 : vector<16xi32> to vector<16x1xi32>
        %parallel_loop3A_550 = vector.shape_cast %parallel_loop3A_549 : vector<16x1xi32> to vector<16xi32>
        %parallel_loop3A_551 = tpu.dynamic_gather %parallel_loop3A_530[%parallel_loop3A_550] in [0] : vector<16xf32>, vector<16xi32> -> vector<16xf32>
        %parallel_loop3A_552 = arith.addf %parallel_loop3A_530, %parallel_loop3A_551 : vector<16xf32>
        %parallel_loop3A_553 = arith.select %eq3A_16, %parallel_loop3A_541, %parallel_loop3A_552 : vector<16xi1>, vector<16xf32>
        %parallel_loop3A_554 = arith.constant 0 : i32
        %parallel_loop3A_555 = vector.broadcast %parallel_loop3A_554 : i32 to vector<16xi32>
        %parallel_loop3A_556 = arith.cmpi slt, %xor3A_33, %parallel_loop3A_555 : vector<16xi32>
        %parallel_loop3A_557 = arith.constant 16 : i32
        %parallel_loop3A_558 = vector.broadcast %parallel_loop3A_557 : i32 to vector<16xi32>
        %parallel_loop3A_559 = arith.addi %xor3A_33, %parallel_loop3A_558 : vector<16xi32>
        %parallel_loop3A_560 = arith.select %parallel_loop3A_556, %parallel_loop3A_559, %xor3A_33 : vector<16xi1>, vector<16xi32>
        %parallel_loop3A_561 = vector.shape_cast %parallel_loop3A_560 : vector<16xi32> to vector<16x1xi32>
        %parallel_loop3A_562 = vector.shape_cast %parallel_loop3A_561 : vector<16x1xi32> to vector<16xi32>
        %parallel_loop3A_563 = tpu.dynamic_gather %parallel_loop3A_344[%parallel_loop3A_562] in [0] : vector<16xf32>, vector<16xi32> -> vector<16xf32>
        %parallel_loop3A_564 = arith.addf %parallel_loop3A_344, %parallel_loop3A_563 : vector<16xf32>
        %parallel_loop3A_565 = arith.constant 0 : i32
        %parallel_loop3A_566 = vector.broadcast %parallel_loop3A_565 : i32 to vector<16xi32>
        %parallel_loop3A_567 = arith.cmpi slt, %xor3A_33, %parallel_loop3A_566 : vector<16xi32>
        %parallel_loop3A_568 = arith.constant 16 : i32
        %parallel_loop3A_569 = vector.broadcast %parallel_loop3A_568 : i32 to vector<16xi32>
        %parallel_loop3A_570 = arith.addi %xor3A_33, %parallel_loop3A_569 : vector<16xi32>
        %parallel_loop3A_571 = arith.select %parallel_loop3A_567, %parallel_loop3A_570, %xor3A_33 : vector<16xi1>, vector<16xi32>
        %parallel_loop3A_572 = vector.shape_cast %parallel_loop3A_571 : vector<16xi32> to vector<16x1xi32>
        %parallel_loop3A_573 = vector.shape_cast %parallel_loop3A_572 : vector<16x1xi32> to vector<16xi32>
        %parallel_loop3A_574 = tpu.dynamic_gather %parallel_loop3A_553[%parallel_loop3A_573] in [0] : vector<16xf32>, vector<16xi32> -> vector<16xf32>
        %parallel_loop3A_575 = arith.addf %parallel_loop3A_553, %parallel_loop3A_574 : vector<16xf32>
        %parallel_loop3A_576 = arith.select %eq3A_22, %parallel_loop3A_564, %parallel_loop3A_575 : vector<16xi1>, vector<16xf32>
        %parallel_loop3A_577 = arith.constant 0 : i32
        %parallel_loop3A_578 = arith.index_cast %rem3A_42 : i32 to index
        %parallel_loop3A_579 = arith.index_cast %parallel_loop3A_577 : i32 to index
        %parallel_loop3A_580 = arith.index_cast %parallel_loop3A_135 : i32 to index
        %parallel_loop3A_581 = tpu.vector_load %arg15[%parallel_loop3A_578, %parallel_loop3A_579, %parallel_loop3A_580] {strides = array<i32>} : memref<2x1x128xf32, #tpu.memory_space<vmem>>, vector<1x1x16xf32>,
        %parallel_loop3A_582 = vector.shape_cast %parallel_loop3A_581 : vector<1x1x16xf32> to vector<16xf32>
        %parallel_loop3A_583 = arith.constant 0 : i32
        %parallel_loop3A_584 = arith.index_cast %rem3A_42 : i32 to index
        %parallel_loop3A_585 = arith.index_cast %parallel_loop3A_583 : i32 to index
        %parallel_loop3A_586 = arith.index_cast %parallel_loop3A_135 : i32 to index
        %parallel_loop3A_587 = tpu.vector_load %arg16[%parallel_loop3A_584, %parallel_loop3A_585, %parallel_loop3A_586] {strides = array<i32>} : memref<2x1x128xf32, #tpu.memory_space<vmem>>, vector<1x1x16xf32>,
        %parallel_loop3A_588 = vector.shape_cast %parallel_loop3A_587 : vector<1x1x16xf32> to vector<16xf32>
        %parallel_loop3A_589 = arith.addf %parallel_loop3A_582, %parallel_loop3A_588 : vector<16xf32>
        %parallel_loop3A_590 = arith.constant 0 : index
        %parallel_loop3A_591 = tpu.vector_load %arg19[%parallel_loop3A_590] {strides = array<i32>} : memref<16xf32, #tpu.memory_space<vmem>>, vector<16xf32>,
        %parallel_loop3A_592 = vector.shape_cast %parallel_loop3A_591 : vector<16xf32> to vector<16xf32>
        %parallel_loop3A_593 = arith.mulf %parallel_loop3A_589, %parallel_loop3A_592 : vector<16xf32>
        %parallel_loop3A_594 = arith.addf %parallel_loop3A_576, %parallel_loop3A_593 : vector<16xf32>
        %parallel_loop3A_595 = arith.constant 0 : index
        %parallel_loop3A_596 = tpu.vector_load %arg18[%parallel_loop3A_595] {strides = array<i32>} : memref<16xf32, #tpu.memory_space<vmem>>, vector<16xf32>,
        %parallel_loop3A_597 = vector.shape_cast %parallel_loop3A_596 : vector<16xf32> to vector<16xf32>
        %parallel_loop3A_598 = arith.addf %parallel_loop3A_594, %parallel_loop3A_597 : vector<16xf32>
        %parallel_loop3A_599 = arith.constant 0.000000e+00 : f32
        %parallel_loop3A_600 = vector.broadcast %parallel_loop3A_599 : f32 to vector<16xf32>
        %parallel_loop3A_601 = arith.subf %parallel_loop3A_600, %parallel_loop3A_598 : vector<16xf32>
        %parallel_loop3A_602 = math.exp %parallel_loop3A_601 : vector<16xf32>
        %parallel_loop3A_603 = arith.constant 1.000000e+00 : f32
        %parallel_loop3A_604 = vector.broadcast %parallel_loop3A_603 : f32 to vector<16xf32>
        %parallel_loop3A_605 = arith.addf %parallel_loop3A_604, %parallel_loop3A_602 : vector<16xf32>
        %parallel_loop3A_606 = arith.constant 1.000000e+00 : f32
        %parallel_loop3A_607 = vector.broadcast %parallel_loop3A_606 : f32 to vector<16xf32>
        %parallel_loop3A_608 = arith.divf %parallel_loop3A_607, %parallel_loop3A_605 : vector<16xf32>
        %parallel_loop3A_609 = arith.constant 128 : i32
        %parallel_loop3A_610 = arith.muli %scan3A_41, %parallel_loop3A_609 : i32
        %parallel_loop3A_611 = arith.addi %parallel_loop3A_610, %parallel_loop3A_135 : i32
        %parallel_loop3A_612 = arith.index_cast %parallel_loop3A_611 : i32 to index
        %parallel_loop3A_613 = tpu.vector_load %arg21[%parallel_loop3A_612] {strides = array<i32>} : memref<512xf32, #tpu.memory_space<vmem>>, vector<16xf32>,
        %parallel_loop3A_614 = vector.shape_cast %parallel_loop3A_613 : vector<16xf32> to vector<16xf32>
        %parallel_loop3A_615 = vector.shape_cast %parallel_loop3A_608 : vector<16xf32> to vector<16xf32>
        tpu.vector_store %arg21[%parallel_loop3A_612], %parallel_loop3A_615 {strides = array<i32>} : memref<512xf32, #tpu.memory_space<vmem>>, vector<16xf32>,
      } {sc.loop_unroll_factor = 2 : i64, sc.parallel_access}
    }
    %scan3A_38 = arith.constant 4 : i32
    %mul3A_39 = arith.constant 512 : i32
    %mul3A_40 = arith.muli %add3A, %mul3A_39 : i32
    "tpu.region"() ({
      %run_scoped3A = tpu.sem_alloc : memref<!tpu.dma_semaphore, #tpu.memory_space<semaphore_mem>>
      %dma_start3A = tpu.memref_slice %arg10[%mul3A_40] : memref<16384xf32, #tpu.memory_space<hbm>> -> memref<512xf32, #tpu.memory_space<hbm>>
      %dma_start3A_41 = tpu.memref_slice %arg10[%mul3A_40] : memref<16384xf32, #tpu.memory_space<hbm>> -> memref<512xf32, #tpu.memory_space<hbm>>
      tpu.enqueue_dma source(%arg21 : memref<512xf32, #tpu.memory_space<vmem>>) target(%dma_start3A_41 : memref<512xf32, #tpu.memory_space<hbm>>) target_semaphore(%run_scoped3A : memref<!tpu.dma_semaphore, #tpu.memory_space<semaphore_mem>>)
      %dma_wait3A = tpu.memref_slice %arg10[%mul3A_40] : memref<16384xf32, #tpu.memory_space<hbm>> -> memref<512xf32, #tpu.memory_space<hbm>>
      %dma_wait3A_42 = tpu.memref_slice %arg10[%mul3A_40] : memref<16384xf32, #tpu.memory_space<hbm>> -> memref<512xf32, #tpu.memory_space<hbm>>
      tpu.wait_dma2 semaphore(%run_scoped3A : memref<!tpu.dma_semaphore, #tpu.memory_space<semaphore_mem>>) src(%arg21 : memref<512xf32, #tpu.memory_space<vmem>>) dst(%dma_wait3A_42 : memref<512xf32, #tpu.memory_space<hbm>>)
      tpu.yield
    }) : () -> ()
    return
  }
}

</mosaic_0001>

<sc_bundles>
// kernel: _gmf.3.cloned.1.call-start
scs
__scs_entry_jumppad:
0x0: {  	(pc) =	sbr.rel $0x88, $3  }
0x1: {  	(tag) =	ssettag $0x0;
	lr =	simm.s32 $0x1  }
0x2: {  	[smem:$0x3F99] =	sst lr;
	_ =	strace $0xD0000000  }
0x3: {  	_ = 	snop  }
0x4: {  	_ = 	snop  }
0x5: {  	_ = 	snop  }
0x6: {  	_ = 	snop  }
0x7: {  	_ = 	snop  }
__scs_overlays_trampoline_lowered:
0x8: {  	[smem:$0x3FA8] =	sst s0  }
0x9: {  	[smem:$0x3FA9] =	sst s1  }
0xa: {  	[smem:$0x3FAA] =	sst s2  }
0xb: {  	[smem:$0x3FAB] =	sst s3  }
0xc: {  	[smem:$0x3FAC] =	sst s4  }
0xd: {  	[smem:$0x3FAD] =	sst s5  }
0xe: {  	[smem:$0x3FAE] =	sst s6  }
0xf: {  	[smem:$0x3FAF] =	sst s7  }
0x10: {  	[smem:$0x3FB0] =	sst s8  }
0x11: {  	[smem:$0x3FB1] =	sst s9;
	s0 =	simm.s32 @!p0 $0x0  }
0x12: {  	s1 =	sld [smem:$0x3F97];
	s0 =	simm.s32 @p0 $0x1  }
0x13: {  	[smem:$0x3FB2] =	sst s0;
	s0 =	simm.s32 @!p1 $0x0  }
0x14: {  	s2 =	sld [smem:$0x3F96];
	s0 =	simm.s32 @p1 $0x1  }
0x15: {  	[smem:$0x3FB3] =	sst s0;
	s0 =	simm.s32 @!p2 $0x0  }
0x16: {  	s3 =	sld [smem:$0x3FDB];
	s0 =	simm.s32 @p2 $0x1  }
0x17: {  	s4 =	simm.s32 $0x1BF5;
	[smem:$0x3FB5] =	sst s0  }
0x18: {  	s0 =	sld [smem:$0x3F98];
	_ =	swait.ge [sflag:s4], $0x0  }
0x19: {  	s7 =	sld [smem:$0x3F99]  }
0x1a: {  	s8 =	sadd.s32 $0xFFFFE003, lr  }
0x1b: {  	s9 =	sadd.s32 $0xFFFFFEF7, lr;
	s5 =	simm.s32 $0xFFFFFFFF;
	p2 =	slt.u32 s8, $0xFFFFF086  }
0x1c: {  	p1 =	slt.u32 s9, $0xF7A;
	s5 =	simm.s32 @!p2 $0x0  }
0x1d: {  	s5 =	simm.s32 @p1 $0x1;
	p0 =	seq.s32 s7, s2  }
0x1e: {  	s7 =	smul.u32 @!p0 $0xF7A, s2;
	p2 =	seq.s32 @!p0 s5, $0x0  }
0x1f: {  	s9 =	smul.u32 $0xF7A, s1;
	s8 =	simm.s32 @!p0 $0x1BF5;
	p2 =	por !p2, p0  }
0x20: {  	[sflag:s8] =	ssyncset.s32 @!p0 $0xFFFFF086;
	s6 =	sadd.s32 @!p0 s3, s7;
	s7 =	simm.s32 @!p0 $0x108  }
0x21: {  	s3 =	sadd.s32 s3, s9;
	s6 =	sadd.s32 @!p0 $0x88, s6;
	s7 =	simm.s32 @p2 $0x1082  }
0x22: {  	[simem:s7], [sflag:s8] =	dma.local @!p0 [hbm:s6], $0xF7A  }
0x23: {  	s9 =	sor.u32 $0xD0000000, s2;
	s6 =	simm.s32 $0x108;
	_ =	swait.ge @!p0 [sflag:s8], $0x0  }
0x24: {  	s3 =	sadd.s32 $0x88, s3;
	s6 =	simm.s32 @!p1 $0x1082;
	[sflag:s4] =	ssyncset.s32 $0xFFFFF086  }
0x25: {  	[simem:s6], [sflag:s4] =	dma.local [hbm:s3], $0xF7A  }
0x26: {  	[smem:$0x3F99] =	sst s1;
	(tag) =	ssettag s2;
	_ =	strace s9  }
0x27: {  	s1 =	sld [smem:$0x3FA9]  }
0x28: {  	s2 =	sld [smem:$0x3FAA]  }
0x29: {  	s4 =	sld [smem:$0x3FAC]  }
0x2a: {  	p0 =	seq.s32 s5, $0x0;
	s5 =	sld [smem:$0x3FAD]  }
0x2b: {  	s6 =	sld [smem:$0x3FAE]  }
0x2c: {  	s7 =	sld [smem:$0x3FAF]  }
0x2d: {  	s3 =	simm.s32 $0x108;
	s8 =	sld [smem:$0x3FB0]  }
0x2e: {  	s3 =	simm.s32 @!p0 $0x1082;
	s9 =	sld [smem:$0x3FB1]  }
0x2f: {  	lr =	sadd.s32 s0, s3;
	s0 =	sld [smem:$0x3FA8]  }
0x30: {  	s3 =	sld [smem:$0x3FAB]  }
0x31: {  	[smem:$0x3FB4] =	sst s10  }
0x32: {  	s10 =	sld [smem:$0x3FB2];
	_ =	sdelay $0x3  }
0x33: {  	p0 =	seq.s32 s10, $0x1;
	s10 =	sld [smem:$0x3FB4];
	_ =	sdelay $0x3  }
0x34: {  	[smem:$0x3FB4] =	sst s10  }
0x35: {  	s10 =	sld [smem:$0x3FB3];
	_ =	sdelay $0x3  }
0x36: {  	p1 =	seq.s32 s10, $0x1;
	s10 =	sld [smem:$0x3FB4];
	_ =	sdelay $0x3  }
0x37: {  	[smem:$0x3FB4] =	sst s10  }
0x38: {  	s10 =	sld [smem:$0x3FB5]  }
0x39: {  	_ = 	snop;
	(pc) =	sbr.ind lr, $3  }
0x3a: {  	_ = 	snop  }
0x3b: {  	_ = 	snop  }
0x3c: {  	p2 =	seq.s32 s10, $0x1;
	s10 =	sld [smem:$0x3FB4]  }
0x3d: {  	_ =	shalt  }
0x3e: {  	_ =	shalt  }
0x3f: {  	_ =	shalt  }
0x40: {  	_ =	shalt  }
0x41: {  	_ =	shalt  }
0x42: {  	_ =	shalt  }
0x43: {  	_ =	shalt  }
0x44: {  	_ =	shalt  }
0x45: {  	_ =	shalt  }
0x46: {  	_ =	shalt  }
0x47: {  	_ =	shalt  }
0x48: {  	_ =	shalt  }
0x49: {  	_ =	shalt  }
0x4a: {  	_ =	shalt  }
0x4b: {  	_ =	shalt  }
0x4c: {  	_ =	shalt  }
0x4d: {  	_ =	shalt  }
0x4e: {  	_ =	shalt  }
0x4f: {  	_ =	shalt  }
0x50: {  	_ =	shalt  }
0x51: {  	_ =	shalt  }
0x52: {  	_ =	shalt  }
0x53: {  	_ =	shalt  }
0x54: {  	_ =	shalt  }
0x55: {  	_ =	shalt  }
0x56: {  	_ =	shalt  }
0x57: {  	_ =	shalt  }
0x58: {  	_ =	shalt  }
0x59: {  	_ =	shalt  }
0x5a: {  	_ =	shalt  }
0x5b: {  	_ =	shalt  }
0x5c: {  	_ =	shalt  }
0x5d: {  	_ =	shalt  }
0x5e: {  	_ =	shalt  }
0x5f: {  	_ =	shalt  }
0x60: {  	_ =	shalt  }
0x61: {  	_ =	shalt  }
0x62: {  	_ =	shalt  }
0x63: {  	_ =	shalt  }
0x64: {  	_ =	shalt  }
0x65: {  	_ =	shalt  }
0x66: {  	_ =	shalt  }
0x67: {  	_ =	shalt  }
0x68: {  	_ =	shalt  }
0x69: {  	_ =	shalt  }
0x6a: {  	_ =	shalt  }
0x6b: {  	_ =	shalt  }
0x6c: {  	_ =	shalt  }
0x6d: {  	_ =	shalt  }
0x6e: {  	_ =	shalt  }
0x6f: {  	_ =	shalt  }
0x70: {  	_ =	shalt  }
0x71: {  	_ =	shalt  }
0x72: {  	_ =	shalt  }
0x73: {  	_ =	shalt  }
0x74: {  	_ =	shalt  }
0x75: {  	_ =	shalt  }
0x76: {  	_ =	shalt  }
0x77: {  	_ =	shalt  }
0x78: {  	_ =	shalt  }
0x79: {  	_ =	shalt  }
0x7a: {  	_ =	shalt  }
0x7b: {  	_ =	shalt  }
0x7c: {  	_ =	shalt  }
0x7d: {  	_ =	shalt  }
0x7e: {  	_ =	shalt  }
0x7f: {  	_ =	shalt  }
0x80: {  	_ =	shalt  }
0x81: {  	_ =	shalt  }
0x82: {  	_ =	shalt  }
0x83: {  	_ =	shalt  }
0x84: {  	_ =	shalt  }
0x85: {  	_ =	shalt  }
0x86: {  	_ =	shalt  }
0x87: {  	_ =	shalt  }
.Lfunc_end0:
.L_simem_size_0:
called_computation_lowered:
.L_overlay_start_0:
0x88: {  	s2 =	sld [smem:$0x3FD9]  }
0x89: {  	s3 =	sld [smem:$0x3FFE];
	_ =	sdelay $0x1  }
0x8a: {  	s1 =	srdreg.scid  }
0x8b: {  	s0 =	sand.u32 $0x1, s1  }
0x8c: {  	s18 =	sshll.u32 s0, $0xA;
	s2 =	sadd.s32 s3, s2  }
0x8d: {  	s2 =	sadd.s32 s2, s18  }
0x8e: {  	[smem:$0x3FC0] =	sst s2  }
0x8f: {  	_ = 	snop  }
0x90: {  	s2 =	sld [smem:$0x3FC9]  }
0x91: {  	s19 =	sld [smem:$0x3FC8]  }
0x92: {  	s4 =	sld [smem:$0x3FC7]  }
0x93: {  	s5 =	sld [smem:$0x3FC6]  }
0x94: {  	s6 =	sld [smem:$0x3FC5]  }
0x95: {  	s7 =	sld [smem:$0x3FC4]  }
0x96: {  	s8 =	sld [smem:$0x3FC3]  }
0x97: {  	s9 =	sld [smem:$0x3FC2]  }
0x98: {  	s10 =	sld [smem:$0x3FD0];
	(tm) =	ssettm $0x1  }
0x99: {  	s11 =	sld [smem:$0x3FFB];
	_ =	sdelay $0x3  }
0x9a: {  	_ =	strace s11  }
0x9b: {  	s11 =	sld [smem:$0x3FFC];
	_ =	sdelay $0x3  }
0x9c: {  	_ =	strace s11  }
0x9d: {  	s11 =	sld [smem:$0x3FFD];
	_ =	sdelay $0x3  }
0x9e: {  	_ =	strace s11  }
0x9f: {  	_ =	strace $0x8FFFFFFF  }
0xa0: {  	s20 =	sld [smem:$0x3FDB];
	_ =	sdelay $0x1  }
0xa1: {  	s12 =	simm.s32 $_scs_section_size  }
0xa2: {  	s13 =	simm.s32 $_size__tile_overlayer_lowered;
	s14 =	simm.s32 $_tile_overlayer_lowered  }
0xa3: {  	s23 =	simm.s32 $0x1BFF;
	s22 =	sshll.u32 s14, $0x1;
	s11 =	sadd.s32 s12, s20  }
0xa4: {  	s15 =	simm.s32 $0x0;
	s21 =	sshll.u32 s13, $0x1;
	s13 =	sadd.s32 s22, s11  }
0xa5: {  	[timem:s15], [sflag:s23] =	dma.local [hbm:s13], s21  }
0xa6: {  	_ =	swait.ge [sflag:s23], s21  }
0xa7: {  	s12 =	ssub.s32 $0x0, s21;
	[sflag:s23] =	ssyncset.done $0x0  }
0xa8: {  	[sflag:s23] =	ssyncadd.s32 s12;
	_ =	sdelay $0x1  }
0xa9: {  	s24 =	simm.s32 $0x1B8B  }
0xaa: {  	_ =	swait.ge [sflag:s24], $0x1  }
0xab: {  	[sflag:s24] =	ssyncset.done $0x0  }
0xac: {  	s25 =	simm.s32 $0x1B8E;
	[sflag:s24] =	ssyncadd.s32 $0xFFFFFFFF  }
0xad: {  	s26 =	simm.s32 $execute0_lowered;
	[smem:$0x3FD2] =	sst s25  }
0xae: {  	s12 =	sshll.u32 s26, $0x1;
	_ =	strace $0x80000046;
	[dreg:$0x1] =	wrdreg $0xFFFFFFFF  }
0xaf: {  	s28 =	simm.s32 $_size_execute0_lowered;
	s11 =	sadd.s32 s11, s12;
	[dreg:$0x0] =	wrdreg $0x0  }
0xb0: {  	s12 =	sshll.u32 s28, $0x1;
	[dreg:$0x2] =	wrdreg s11  }
0xb1: {  	[dreg:$0x3] =	wrdreg s12  }
0xb2: {  	[dreg:$0x4] =	wrdreg $0xC0  }
0xb3: {  	_ =	task [dreg:s15], $0x5FFFF  }
0xb4: {  	[dreg:$0x1] =	wrdreg $0xFFFFFFFF  }
0xb5: {  	[dreg:$0x0] =	wrdreg $0x60  }
0xb6: {  	[dreg:$0x2] =	wrdreg s2  }
0xb7: {  	[dreg:$0x3] =	wrdreg s19  }
0xb8: {  	[dreg:$0x4] =	wrdreg s4  }
0xb9: {  	[dreg:$0x5] =	wrdreg s5  }
0xba: {  	[dreg:$0x6] =	wrdreg s6  }
0xbb: {  	[dreg:$0x7] =	wrdreg s7  }
0xbc: {  	[dreg:$0x8] =	wrdreg s8  }
0xbd: {  	[dreg:$0x9] =	wrdreg s9  }
0xbe: {  	[dreg:$0xa] =	wrdreg s10  }
0xbf: {  	[dreg:$0xb] =	wrdreg $0x9  }
0xc0: {  	_ =	task.clear_ibuf [dreg:s15], $0xCFFFF;
	_ =	strace $0x90000046  }
0xc1: {  	s29 =	simm.s32 $0x9;
	_ =	strace $0x80000048  }
0xc2: {  	_ =	swait.ge [sflag:s29], $0x1  }
0xc3: {  	[sflag:s29] =	ssyncadd.s32 $0xFFFFFFFF  }
0xc4: {  	_ =	strace $0x90000048  }
0xc5: {  	_ =	sfence  }
0xc6: {  	s30 =	sld [smem:$0x0];
	_ =	sdelay $0x2  }
0xc7: {  	s31 =	sshll.u32 s1, $0xD;
	s1 =	sshrl.u32 s1, $0x2  }
0xc8: {  	s3 =	sand.u32 $0x4000, s31;
	s1 =	sadd.s32 s1, s30  }
0xc9: {  	s0 =	sor.u32 s3, s0;
	s1 =	sshll.u32 s1, $0x11  }
0xca: {  	s0 =	sor.u32 s1, s0  }
0xcb: {  	s0 =	sadd.s32 $0x8F2B, s0  }
0xcc: {  	[sflag:s0] =	ssyncadd.remote.s32 $0x1  }
0xcd: {  	_ =	sfence.sel $0xFFFF  }
0xce: {  	[dreg:$0x0] =	wrdreg $0xFFFFFFFF;
	(pc) =	sbr.abs _section_cstart, $3  }
0xcf: {  	[dreg:$0x1] =	wrdreg $0xFFFFFFFF  }
0xd0: {  	_ =	task.clear_ibuf [dreg:s15], $0x2FFFF;
	_ =	strace $0x9FFFFFFF  }
0xd1: {  	(tm) =	ssettm $0x7FFFFFFF  }
tec
execute0_lowered:
.L_overlay_start_1:
0x0: {  	(tag) =	ssettag $0x1  }
0x1: {  	v0 =	vimm.s32 $0x76543210;
	v1 =	vimm.s32 $0xFEDCBA98  }
0x2: {  	v2 =	vimm.s32 $0xBA98FEDC;
	v3 =	vimm.s32 $0x32107654;
	v4 =	vimm.s32 $0xDCFE98BA  }
0x3: {  	v5 =	vimm.s32 $0x54761032;
	vm0 =	vcmask $0x2F20;
	vm1 =	vcmask $0xF00  }
0x4: {  	s6 =	rddreg [dreg:$0x0];
	vm2 =	vcmask $0x700;
	vm3 =	vcmask $0xB08;
	vm4 =	vcmask $0x300  }
0x5: {  	s7 =	rddreg [dreg:$0x1];
	v0 =	vunpack.c.l.s4.s8 v0;
	v1 =	vunpack.c.l.s4.s8 v1;
	v2 =	vunpack.c.l.s4.s8 v2  }
0x6: {  	s0 =	rddreg [dreg:$0x2];
	v3 =	vunpack.c.l.s4.s8 v3;
	v4 =	vunpack.c.l.s4.s8 v4;
	v5 =	vunpack.c.l.s4.s8 v5  }
0x7: {  	s1 =	rddreg [dreg:$0x3];
	vm0 =	vmor vm1, vm0;
	vm1 =	vcmask $0x1710;
	vm3 =	vmor vm4, vm3  }
0x8: {  	s2 =	rddreg [dreg:$0x4];
	vm1 =	vmor vm2, vm1;
	vm2 =	vcmask $0x2720;
	v1 =	vunpack.c.0.s8.s32 v1  }
0x9: {  	s3 =	rddreg [dreg:$0x5];
	v0 =	vunpack.c.0.s8.s32 v0;
	v2 =	vunpack.c.0.s8.s32 v2;
	v3 =	vunpack.c.0.s8.s32 v3  }
0xa: {  	s4 =	rddreg [dreg:$0x6];
	vm1 =	vmor vm1, vm2;
	vm2 =	vcmask $0x3730;
	v1 =	vand.u32 $0xF, v1  }
0xb: {  	s5 =	rddreg [dreg:$0x7];
	vm4 =	vcmask $0x1310;
	vm1 =	vmor vm1, vm2;
	v0 =	vcombine.low v1, v0  }
0xc: {  	s11 =	rddreg [dreg:$0x8];
	v1 =	vcombine.low v3, v2;
	v2 =	vunpack.c.0.s8.s32 v4;
	v3 =	vunpack.c.0.s8.s32 v5  }
0xd: {  	s9 =	srdreg.scid;
	s8 =	simm.s32 $0x0;
	s12 =	stileid.u32;
	vm2 =	vmor vm3, vm4;
	vm3 =	vcmask $0x1B18;
	vm4 =	vcmask $0x2320  }
0xe: {  	s15 =	simm.s32 $0x5;
	s16 =	simm.s32 $0x200;
	s17 =	simm.s32 $0x10600;
	v4 =	vimm.s32 $0x67452301;
	v2 =	vcombine.low v3, v2;
	v3 =	vimm.s32 $0xEFCDAB89  }
0xf: {  	s18 =	simm.s32 $0x10680;
	s19 =	simm.s32 $0x80;
	s20 =	simm.s32 $0x400;
	vm3 =	vmor vm2, vm3;
	v4 =	vunpack.c.l.s4.s8 v4;
	v3 =	vunpack.c.l.s4.s8 v3  }
0x10: {  	s21 =	simm.s32 $0x8400;
	s22 =	simm.s32 $0x10400;
	s23 =	simm.s32 $0x10500;
	vm3 =	vmor vm3, vm4  }
0x11: {  	s24 =	simm.s32 $0x0;
	s9 =	sand.u32 $0x1, s9;
	s12 =	sshll.u32 s12, $0x7;
	vm4 =	vcmask $0x2B28;
	v4 =	vunpack.c.0.s8.s32 v4;
	v3 =	vunpack.c.0.s8.s32 v3  }
0x12: {  	[smem:$0x7FF] =	sst s8;
	s10 =	ssub.s32 $0x2, s9;
	s9 =	sshll.u32 s9, $0x6;
	vm3 =	vmor vm3, vm4;
	vm4 =	vcmask $0x3330  }
0x13: {  	_ =	strace $0x80000047;
	s13 =	sshrl.u32 s10, $0x1;
	s12 =	sor.u32 s9, s12;
	vm3 =	vmor vm3, vm4;
	vm4 =	vcmask $0x3B38;
	v3 =	vcombine.low v4, v3  }
0x14: {  	s13 =	ssub.s32 s10, s13;
	s9 =	sadd.s32 s6, s12;
	s10 =	sadd.s32 s7, s12;
	vm2 =	vmmov $0xff;
	v1 =	vand.u32 $0xF, v1;
	vm3 =	vmor vm3, vm4  }
0x15: {  	s11 =	sadd.s32 s11, s12;
	s12 =	smax.u32 s13, $0x1;
	s13 =	simm.s32 $0x1;
	vm4 =	vmmov $0x1;
	v2 =	vand.u32 $0xF, v2;
	v3 =	vand.u32 $0xF, v3  }
.LBB2_1:
0x16: {  	p0 =	por $0x0, $0x0;
	s25 =	simm.s32 $0x14790;
	s6 =	simm.s32 $0x0  }
.LBB2_3:
0x17: {  	p1 =	seq.s32 s6, $0x3  }
.Ltmp0:
0x18: {  	_ = 	snop;
	(pc) =	sbr.rel @p1 .LBB2_7-.Ltmp0, $2  }
0x19: {  	_ =	sdelay $0x2  }
0x1a: {  	s26 =	sadd.s32 $0x1, s6  }
0x1b: {  	p1 =	sne.s32 s6, $0x0  }
.Ltmp1:
0x1c: {  	_ = 	snop;
	(pc) =	sbr.rel @p1 .LBB2_6-.Ltmp1, $1  }
0x1d: {  	_ =	sdelay $0x3  }
0x1e: {  	[tilespmem:s8], [sflag:$0x1] =	stream.linear.gather [hbm4b:s9+s8], $0x200, $0x38;
	[tilespmem:$0x14980] =	vst v63  }
0x1f: {  	_ = 	snop  }
0x20: {  	[tilespmem:s16], [sflag:$0x1] =	stream.linear.gather [hbm4b:s10+s8], $0x200, $0x38;
	[tilespmem:$0x14980] =	vst v63  }
0x21: {  	_ = 	snop  }
0x22: {  	[tilespmem:s17], [sflag:$0x1] =	stream.linear.gather [hbm4b:s4+s8], $0x80, $0x38;
	[tilespmem:$0x14980] =	vst v63  }
0x23: {  	_ = 	snop  }
0x24: {  	[tilespmem:s18], [sflag:$0x1] =	stream.linear.gather [hbm4b:s5+s8], $0x1, $0x38;
	[tilespmem:$0x14980] =	vst v63  }
0x25: {  	_ =	swait.ge [sflag:s13], $0x200  }
0x26: {  	[sflag:s13] =	ssyncset.done $0x0  }
0x27: {  	[sflag:s13] =	ssyncadd.s32 $0xFFFFFE00  }
0x28: {  	_ =	swait.ge [sflag:s13], $0x200  }
0x29: {  	[sflag:s13] =	ssyncset.done $0x0  }
0x2a: {  	[sflag:s13] =	ssyncadd.s32 $0xFFFFFE00  }
0x2b: {  	_ =	swait.ge [sflag:s13], $0x80  }
0x2c: {  	[sflag:s13] =	ssyncset.done $0x0  }
0x2d: {  	[sflag:s13] =	ssyncadd.s32 $0xFFFFFF80  }
0x2e: {  	_ =	swait.ge [sflag:s13], $0x1  }
0x2f: {  	[sflag:s13] =	ssyncset.done $0x0  }
0x30: {  	[sflag:s13] =	ssyncadd.s32 $0xFFFFFFFF  }
0x31: {  	[tilespmem:s20], [sflag:$0x1] =	stream.indirect.gather [hbm4b:s0+s19], $0x80, s8, s19, $0xb8;
	[tilespmem:$0x14980] =	vst v63  }
0x32: {  	_ = 	snop  }
0x33: {  	[tilespmem:s21], [sflag:$0x1] =	stream.indirect.gather [hbm4b:s1+s19], $0x80, s16, s19, $0xb8;
	[tilespmem:$0x14980] =	vst v63  }
0x34: {  	_ = 	snop  }
0x35: {  	[tilespmem:s22], [sflag:$0x3] =	stream.indirect.gather [hbm4b:s2+s19], $0x1, s8, s19, $0xb8;
	[tilespmem:$0x14980] =	vst v63  }
0x36: {  	_ = 	snop  }
0x37: {  	[tilespmem:s23], [sflag:$0x3] =	stream.indirect.gather [hbm4b:s3+s19], $0x1, s16, s19, $0xb8;
	[tilespmem:$0x14980] =	vst v63  }
0x38: {  	v4 =	vld [tilespmem:$0x10600]  }
0x39: {  	v5 =	vld [tilespmem:$0x10610];
	_ =	sdelay $0x1  }
0x3a: {  	v6 =	vld [tilespmem:$0x10620];
	_ =	sdelay $0x1  }
0x3b: {  	v7 =	vld [tilespmem:$0x10630]  }
0x3c: {  	v4 =	vadd.f32 v5, v4  }
0x3d: {  	v5 =	vld [tilespmem:$0x10640]  }
0x3e: {  	v4 =	vadd.f32 v6, v4  }
0x3f: {  	v59 =	vld [tilespmem:$0x10650]  }
0x40: {  	v4 =	vadd.f32 v7, v4  }
0x41: {  	v60 =	vld [tilespmem:$0x10660]  }
0x42: {  	v61 =	vld [tilespmem:$0x10680];
	v4 =	vadd.f32 v5, v4  }
0x43: {  	v5 =	vld [tilespmem:$0x10670]  }
0x44: {  	v4 =	vadd.f32 v59, v4;
	_ =	sdelay $0x1  }
0x45: {  	v4 =	vadd.f32 v60, v4;
	_ =	sdelay $0x1  }
0x46: {  	v4 =	vadd.f32 v5, v4;
	v5 =	vnsel vm4, $0x0, v61  }
0x47: {  	v63 =	vperm.xlane v5, v3  }
0x48: {  	v62 =	vperm.xlane v4, v3  }
0x49: {  	v5 =	vadd.f32 v63, v5  }
0x4a: {  	v4 =	vadd.f32 v62, v4  }
0x4b: {  	v7 =	vperm.xlane v5, v2  }
0x4c: {  	v6 =	vperm.xlane v4, v2  }
0x4d: {  	v5 =	vadd.f32 v7, v5  }
0x4e: {  	v4 =	vadd.f32 v6, v4  }
0x4f: {  	v7 =	vperm.xlane v5, v1  }
0x50: {  	v6 =	vperm.xlane v4, v1  }
0x51: {  	v5 =	vadd.f32 v7, v5  }
0x52: {  	v4 =	vadd.f32 v6, v4  }
0x53: {  	v7 =	vperm.xlane v5, v0  }
0x54: {  	v6 =	vperm.xlane v4, v0  }
0x55: {  	v5 =	vadd.f32 v7, v5  }
0x56: {  	v4 =	vadd.f32 v6, v4  }
0x57: {  	[tilespmem:$0x10680] =	vst v5  }
0x58: {  	[tilespmem:$0x10700] =	vst v4  }
.LBB2_6:
0x59: {  	s7 =	sand.u32 $0x1, s26  }
0x5a: {  	s14 =	sshll.u32 s7, $0xE  }
0x5b: {  	s29 =	sshll.u32 s26, $0x7;
	s30 =	sadd.s32 $0x1, s7;
	s28 =	sor.u32 $0x400, s14  }
0x5c: {  	[tilespmem:s28], [sflag:s30] =	stream.indirect.gather [hbm4b:s0+s19], $0x80, s29, s19, $0xb8;
	[tilespmem:$0x14980] =	vst v63  }
0x5d: {  	s14 =	sor.u32 $0x8400, s14;
	s28 =	sadd.s32 $0x200, s29  }
0x5e: {  	[tilespmem:s14], [sflag:s30] =	stream.indirect.gather [hbm4b:s1+s19], $0x80, s28, s19, $0xb8;
	[tilespmem:$0x14980] =	vst v63  }
0x5f: {  	s14 =	sshll.u32 s7, $0x7  }
0x60: {  	s7 =	sadd.s32 $0x3, s7;
	s31 =	sor.u32 $0x10400, s14  }
0x61: {  	[tilespmem:s31], [sflag:s7] =	stream.indirect.gather [hbm4b:s2+s19], $0x1, s29, s19, $0xb8;
	[tilespmem:$0x14980] =	vst v63  }
0x62: {  	s14 =	sor.u32 $0x10500, s14  }
0x63: {  	[tilespmem:s14], [sflag:s7] =	stream.indirect.gather [hbm4b:s3+s19], $0x1, s28, s19, $0xb8;
	[tilespmem:$0x14980] =	vst v63  }
.LBB2_7:
0x64: {  	s28 =	sand.u32 $0x1, s6  }
0x65: {  	s6 =	sadd.s32 $0x1, s28  }
0x66: {  	_ =	swait.ge [sflag:s6], $0x4000  }
0x67: {  	[sflag:s6] =	ssyncset.done $0x0  }
0x68: {  	[sflag:s6] =	ssyncadd.s32 $0xFFFFC000  }
0x69: {  	s7 =	simm.s32 $0x1;
	_ =	swait.ge [sflag:s6], $0x4000  }
0x6a: {  	s7 =	simm.s32 @!p0 $0x0;
	[sflag:s6] =	ssyncset.done $0x0  }
0x6b: {  	[sflag:s6] =	ssyncadd.s32 $0xFFFFC000;
	s6 =	sshll.u32 s7, $0xE  }
0x6c: {  	s14 =	sor.u32 $0x600, s6  }
0x6d: {  	v12 =	vld [tilespmem:s14+$0x1E0];
	_ =	sdelay $0x4  }
0x6e: {  	s31 =	sor.u32 $0x8600, s6;
	[tilespmem:$0x1FF20] =	vst v12  }
0x6f: {  	v14 =	vld [tilespmem:s31+$0x1E0]  }
0x70: {  	v15 =	vld [tilespmem:s14+$0x1C0]  }
0x71: {  	v16 =	vld [tilespmem:s31+$0x1C0]  }
0x72: {  	v17 =	vld [tilespmem:s14+$0x1D0]  }
0x73: {  	v18 =	vld [tilespmem:s31+$0x1D0]  }
0x74: {  	v19 =	vld [tilespmem:s14+$0x180]  }
0x75: {  	v20 =	vld [tilespmem:s31+$0x180]  }
0x76: {  	v21 =	vld [tilespmem:s14+$0x190]  }
0x77: {  	v12 =	vld [tilespmem:s31+$0xFFFFFE00]  }
0x78: {  	v22 =	vld [tilespmem:s31+$0x190]  }
0x79: {  	v23 =	vld [tilespmem:s14+$0x1A0]  }
0x7a: {  	v24 =	vld [tilespmem:s31+$0x1A0]  }
0x7b: {  	v25 =	vld [tilespmem:s14+$0x1B0]  }
0x7c: {  	v26 =	vld [tilespmem:s31+$0x1B0];
	[tilespmem:$0x1FFF0] =	vst v12  }
0x7d: {  	v27 =	vld [tilespmem:s14+$0x1F0]  }
0x7e: {  	v28 =	vld [tilespmem:s31+$0x1F0]  }
0x7f: {  	v29 =	vld [tilespmem:s14+$0xFFFFFE10]  }
0x80: {  	v30 =	vld [tilespmem:s31+$0xFFFFFE10]  }
0x81: {  	v31 =	vld [tilespmem:s14+$0xFFFFFE20]  }
0x82: {  	v32 =	vld [tilespmem:s31+$0xFFFFFE20]  }
0x83: {  	v33 =	vld [tilespmem:s14+$0xFFFFFE30]  }
0x84: {  	v34 =	vld [tilespmem:s31+$0xFFFFFE30]  }
0x85: {  	v35 =	vld [tilespmem:s14+$0xFFFFFE80]  }
0x86: {  	v36 =	vld [tilespmem:s31+$0xFFFFFE80]  }
0x87: {  	v37 =	vld [tilespmem:s14+$0xFFFFFE90]  }
0x88: {  	v38 =	vld [tilespmem:s31+$0xFFFFFE90]  }
0x89: {  	v39 =	vld [tilespmem:s14+$0xFFFFFEA0]  }
0x8a: {  	v40 =	vld [tilespmem:s31+$0xFFFFFEA0]  }
0x8b: {  	v41 =	vld [tilespmem:s14+$0xFFFFFEB0]  }
0x8c: {  	v42 =	vld [tilespmem:s31+$0xFFFFFEB0]  }
0x8d: {  	v43 =	vld [tilespmem:s14+$0xFFFFFF00]  }
0x8e: {  	v44 =	vld [tilespmem:s31+$0xFFFFFF00]  }
0x8f: {  	v45 =	vld [tilespmem:s14+$0xFFFFFF10]  }
0x90: {  	v46 =	vld [tilespmem:s31+$0xFFFFFF10]  }
0x91: {  	v47 =	vld [tilespmem:s14+$0xFFFFFF20]  }
0x92: {  	v48 =	vld [tilespmem:s31+$0xFFFFFF20]  }
0x93: {  	v49 =	vld [tilespmem:s14+$0xFFFFFF30]  }
0x94: {  	v50 =	vld [tilespmem:s31+$0xFFFFFF30]  }
0x95: {  	v51 =	vld [tilespmem:s14+$0xFFFFFF80]  }
0x96: {  	v52 =	vld [tilespmem:s31+$0xFFFFFF80]  }
0x97: {  	v53 =	vld [tilespmem:s14+$0xFFFFFF90]  }
0x98: {  	v54 =	vld [tilespmem:s31+$0xFFFFFF90]  }
0x99: {  	v55 =	vld [tilespmem:s14+$0xFFFFFFA0]  }
0x9a: {  	v56 =	vld [tilespmem:s31+$0xFFFFFFA0]  }
0x9b: {  	v57 =	vld [tilespmem:s14+$0xFFFFFFB0]  }
0x9c: {  	v58 =	vld [tilespmem:s31+$0xFFFFFFB0]  }
0x9d: {  	v59 =	vld [tilespmem:s14+$0x0]  }
0x9e: {  	v13 =	vld [tilespmem:s14+$0x30]  }
0x9f: {  	v60 =	vld [tilespmem:s31+$0x0]  }
0xa0: {  	v61 =	vld [tilespmem:s14+$0x10]  }
0xa1: {  	v62 =	vld [tilespmem:s31+$0x10]  }
0xa2: {  	v63 =	vld [tilespmem:s14+$0x20]  }
0xa3: {  	v12 =	vld [tilespmem:s31+$0x20];
	[tilespmem:$0x1FF30] =	vst v13  }
0xa4: {  	v13 =	vld [tilespmem:s31+$0x30];
	_ =	sdelay $0x4  }
0xa5: {  	[tilespmem:$0x1FF40] =	vst v13  }
0xa6: {  	v13 =	vld [tilespmem:s14+$0x80];
	_ =	sdelay $0x4  }
0xa7: {  	[tilespmem:$0x1FF50] =	vst v13  }
0xa8: {  	v13 =	vld [tilespmem:s31+$0x80];
	_ =	sdelay $0x4  }
0xa9: {  	[tilespmem:$0x1FF60] =	vst v13  }
0xaa: {  	v13 =	vld [tilespmem:s14+$0x90];
	_ =	sdelay $0x4  }
0xab: {  	[tilespmem:$0x1FF70] =	vst v13  }
0xac: {  	v13 =	vld [tilespmem:s31+$0x90];
	_ =	sdelay $0x4  }
0xad: {  	[tilespmem:$0x1FF80] =	vst v13  }
0xae: {  	v13 =	vld [tilespmem:s14+$0xA0];
	_ =	sdelay $0x4  }
0xaf: {  	[tilespmem:$0x1FF90] =	vst v13  }
0xb0: {  	v13 =	vld [tilespmem:s31+$0xA0];
	_ =	sdelay $0x4  }
0xb1: {  	[tilespmem:$0x1FFA0] =	vst v13  }
0xb2: {  	v13 =	vld [tilespmem:s14+$0xB0];
	_ =	sdelay $0x4  }
0xb3: {  	[tilespmem:$0x1FFB0] =	vst v13  }
0xb4: {  	v13 =	vld [tilespmem:s31+$0xB0];
	_ =	sdelay $0x4  }
0xb5: {  	[tilespmem:$0x1FFC0] =	vst v13  }
0xb6: {  	v13 =	vld [tilespmem:s14+$0x100];
	_ =	sdelay $0x3  }
0xb7: {  	v4 =	vld [tilespmem:$0x10600]  }
0xb8: {  	v6 =	vld [tilespmem:$0x10610];
	[tilespmem:$0x1FFD0] =	vst v13  }
0xb9: {  	v13 =	vld [tilespmem:s31+$0x100]  }
0xba: {  	v8 =	vld [tilespmem:$0x10620]  }
0xbb: {  	v9 =	vld [tilespmem:$0x10630]  }
0xbc: {  	v10 =	vld [tilespmem:$0x10640]  }
0xbd: {  	v11 =	vld [tilespmem:$0x10650]  }
0xbe: {  	[tilespmem:$0x1FFE0] =	vst v13;
	v13 =	vld [tilespmem:$0x1FF20]  }
0xbf: {  	v5 =	vld [tilespmem:$0x10660]  }
0xc0: {  	v7 =	vld [tilespmem:$0x10670]  }
0xc1: {  	v12 =	vmul.f32 v12, v63;
	v63 =	vld [tilespmem:$0x1FF40]  }
0xc2: {  	v60 =	vmul.f32 v60, v59;
	v59 =	vld [tilespmem:s31+$0x50]  }
0xc3: {  	v13 =	vmul.f32 v14, v13;
	v14 =	vmul.f32 v16, v15;
	v15 =	vld [tilespmem:s14+$0x110]  }
0xc4: {  	v16 =	vmul.f32 v18, v17;
	v18 =	vld [tilespmem:s31+$0x110]  }
0xc5: {  	v17 =	vmul.f32 v20, v19;
	v19 =	vmul.f32 v22, v21;
	v21 =	vld [tilespmem:s14+$0x120]  }
0xc6: {  	v20 =	vmul.f32 v24, v23;
	v24 =	vld [tilespmem:s31+$0x120]  }
0xc7: {  	v23 =	vmul.f32 v28, v27;
	v27 =	vld [tilespmem:s14+$0x130]  }
0xc8: {  	v22 =	vmul.f32 v26, v25;
	v25 =	vmul.f32 v30, v29;
	v30 =	vld [tilespmem:s31+$0x130]  }
0xc9: {  	v28 =	vmul.f32 v34, v33;
	v33 =	vld [tilespmem:s14+$0xFFFFFE00]  }
0xca: {  	v29 =	vmul.f32 v36, v35;
	v36 =	vld [tilespmem:s14+$0xFFFFFE40]  }
0xcb: {  	v26 =	vmul.f32 v32, v31;
	v32 =	vmul.f32 v40, v39;
	v39 =	vld [tilespmem:s31+$0xFFFFFE40]  }
0xcc: {  	v34 =	vmul.f32 v42, v41;
	v41 =	vld [tilespmem:s14+$0xFFFFFE50]  }
0xcd: {  	v35 =	vmul.f32 v44, v43;
	v43 =	vld [tilespmem:s31+$0xFFFFFE50]  }
0xce: {  	v31 =	vmul.f32 v38, v37;
	v37 =	vmul.f32 v46, v45;
	v45 =	vld [tilespmem:s14+$0xFFFFFEC0]  }
0xcf: {  	v38 =	vmul.f32 v48, v47;
	v47 =	vld [tilespmem:s31+$0xFFFFFEC0]  }
0xd0: {  	v40 =	vmul.f32 v50, v49;
	v49 =	vld [tilespmem:s14+$0xFFFFFED0]  }
0xd1: {  	v42 =	vmul.f32 v52, v51;
	v51 =	vld [tilespmem:s31+$0xFFFFFED0]  }
0xd2: {  	v44 =	vmul.f32 v54, v53;
	v53 =	vld [tilespmem:s14+$0xFFFFFF40]  }
0xd3: {  	v54 =	vld [tilespmem:s31+$0xFFFFFF40]  }
0xd4: {  	v46 =	vmul.f32 v56, v55;
	v55 =	vld [tilespmem:s14+$0xFFFFFF50]  }
0xd5: {  	v52 =	vmul.f32 v62, v61;
	v62 =	vld [tilespmem:$0x1FF30]  }
0xd6: {  	v56 =	vld [tilespmem:s14+$0x40]  }
0xd7: {  	v48 =	vmul.f32 v58, v57;
	v57 =	vld [tilespmem:s31+$0x40];
	v17 =	vmul.f32 v17, v4  }
0xd8: {  	v61 =	vld [tilespmem:$0x1FF60];
	v19 =	vmul.f32 v19, v6;
	v20 =	vmul.f32 v20, v8  }
0xd9: {  	v58 =	vld [tilespmem:s14+$0x50];
	v22 =	vmul.f32 v22, v9;
	v14 =	vmul.f32 v14, v10  }
0xda: {  	v17 =	vadd.f32 v20, v17;
	v20 =	vmul.f32 v28, v9;
	v28 =	vmul.f32 v29, v4;
	v29 =	vld [tilespmem:s31+$0xFFFFFF50]  }
0xdb: {  	v19 =	vadd.f32 v22, v19;
	v22 =	vmul.f32 v31, v6;
	v31 =	vmul.f32 v32, v8;
	v32 =	vld [tilespmem:s14+$0xFFFFFFC0]  }
0xdc: {  	v16 =	vmul.f32 v16, v11;
	v15 =	vmul.f32 v18, v15;
	v18 =	vld [tilespmem:s31+$0xD0]  }
0xdd: {  	v13 =	vmul.f32 v13, v5;
	v21 =	vmul.f32 v24, v21;
	v24 =	vld [tilespmem:s14+$0x140]  }
0xde: {  	v23 =	vmul.f32 v23, v7;
	v27 =	vmul.f32 v30, v27;
	v30 =	vld [tilespmem:s31+$0x140]  }
0xdf: {  	v54 =	vmul.f32 v54, v53;
	v53 =	vld [tilespmem:s14+$0xFFFFFFE0];
	v14 =	vadd.f32 v14, v17;
	v16 =	vadd.f32 v16, v19  }
0xe0: {  	v57 =	vmul.f32 v57, v56;
	v56 =	vld [tilespmem:s14+$0xFFFFFFF0];
	v17 =	vmul.f32 v34, v9  }
0xe1: {  	v34 =	vmul.f32 v35, v4;
	v35 =	vld [tilespmem:s31+$0xFFFFFFC0];
	v13 =	vadd.f32 v13, v14;
	v16 =	vadd.f32 v23, v16  }
0xe2: {  	v23 =	vmul.f32 v44, v6;
	v44 =	vmul.f32 v63, v62;
	v62 =	vld [tilespmem:$0x1FF70]  }
0xe3: {  	v16 =	vadd.f32 v16, v13;
	v13 =	vmul.f32 v60, v4;
	v60 =	vld [tilespmem:$0x1FF50]  }
0xe4: {  	v12 =	vmul.f32 v12, v8;
	v63 =	vld [tilespmem:$0x1FF80]  }
0xe5: {  	v19 =	vmul.f32 v37, v6;
	v37 =	vmul.f32 v38, v8;
	v38 =	vld [tilespmem:s14+$0xFFFFFFD0]  }
0xe6: {  	v25 =	vmul.f32 v25, v6;
	v48 =	vmul.f32 v48, v9;
	v28 =	vadd.f32 v31, v28;
	v31 =	vld [tilespmem:$0x1FF90]  }
0xe7: {  	v14 =	vmul.f32 v40, v9;
	v40 =	vmul.f32 v42, v4;
	v42 =	vld [tilespmem:s31+$0xFFFFFFD0]  }
0xe8: {  	v26 =	vmul.f32 v26, v8;
	v23 =	vadd.f32 v48, v23;
	v48 =	vld [tilespmem:$0x1FFF0];
	v50 =	vmul.f32 v61, v60  }
0xe9: {  	v20 =	vadd.f32 v20, v25;
	v25 =	vmul.f32 v52, v6;
	v52 =	vmul.f32 v63, v62;
	v62 =	vld [tilespmem:$0x1FFE0]  }
0xea: {  	v46 =	vmul.f32 v46, v8;
	v34 =	vadd.f32 v37, v34;
	v37 =	vmul.f32 v50, v4;
	v50 =	vld [tilespmem:$0x1FFD0]  }
0xeb: {  	v15 =	vmul.f32 v15, v6;
	v17 =	vadd.f32 v17, v22;
	v22 =	vmul.f32 v44, v9;
	v44 =	vld [tilespmem:$0x1FFB0]  }
0xec: {  	v24 =	vmul.f32 v30, v24;
	v32 =	vmul.f32 v35, v32;
	v60 =	vld [tilespmem:$0x1FFA0]  }
0xed: {  	v21 =	vmul.f32 v21, v8;
	v22 =	vadd.f32 v22, v25;
	v25 =	vmul.f32 v39, v36;
	v61 =	vld [tilespmem:$0x1FFC0]  }
0xee: {  	v40 =	vadd.f32 v46, v40;
	v46 =	vld [tilespmem:s14+$0x150];
	v24 =	vmul.f32 v24, v10;
	v32 =	vmul.f32 v32, v10  }
0xef: {  	v35 =	vld [tilespmem:s31+$0xFFFFFEE0];
	v33 =	vmul.f32 v48, v33;
	v50 =	vmul.f32 v62, v50  }
0xf0: {  	v14 =	vadd.f32 v14, v19;
	v39 =	vld [tilespmem:s14+$0xFFFFFE60];
	v19 =	vmul.f32 v52, v6;
	v52 =	vmul.f32 v47, v45  }
0xf1: {  	v12 =	vadd.f32 v12, v13;
	v45 =	vld [tilespmem:s31+$0xFFFFFE70];
	v33 =	vmul.f32 v33, v4;
	v13 =	vmul.f32 v50, v4  }
0xf2: {  	v31 =	vmul.f32 v60, v31;
	v60 =	vld [tilespmem:s14+$0xC0];
	v44 =	vmul.f32 v61, v44  }
0xf3: {  	v61 =	vld [tilespmem:s31+$0xC0];
	v50 =	vmul.f32 v43, v41;
	v21 =	vadd.f32 v21, v13;
	v13 =	vmul.f32 v27, v9  }
0xf4: {  	v26 =	vadd.f32 v26, v33;
	v62 =	vld [tilespmem:s14+$0xD0];
	v31 =	vmul.f32 v31, v8;
	v44 =	vmul.f32 v44, v9  }
0xf5: {  	v43 =	vld [tilespmem:s31+$0xFFFFFE60];
	v27 =	vmul.f32 v51, v49;
	v47 =	vadd.f32 v13, v15;
	v13 =	vmul.f32 v50, v11  }
0xf6: {  	v25 =	vmul.f32 v25, v10;
	v31 =	vadd.f32 v31, v37;
	v19 =	vadd.f32 v44, v19;
	v44 =	vld [tilespmem:s14+$0xFFFFFE70]  }
0xf7: {  	v37 =	vld [tilespmem:s14+$0xFFFFFEF0];
	v15 =	vmul.f32 v29, v55;
	v20 =	vadd.f32 v13, v20;
	v13 =	vmul.f32 v27, v11  }
0xf8: {  	v25 =	vadd.f32 v25, v26;
	v26 =	vmul.f32 v52, v10;
	v29 =	vld [tilespmem:s14+$0xFFFFFEE0];
	v55 =	vmul.f32 v54, v10  }
0xf9: {  	v51 =	vld [tilespmem:s31+$0xFFFFFF70];
	v27 =	vmul.f32 v42, v38;
	v17 =	vadd.f32 v13, v17;
	v13 =	vmul.f32 v15, v11  }
0xfa: {  	v26 =	vadd.f32 v26, v28;
	v50 =	vmul.f32 v57, v10;
	v57 =	vld [tilespmem:s31+$0xFFFFFFF0];
	v15 =	vmul.f32 v59, v58  }
0xfb: {  	v63 =	vadd.f32 v13, v14;
	v13 =	vmul.f32 v27, v11;
	v14 =	vmul.f32 v18, v62;
	v18 =	vld [tilespmem:s14+$0xFFFFFF70]  }
0xfc: {  	v41 =	vld [tilespmem:s14+$0xFFFFFF60];
	v60 =	vmul.f32 v61, v60;
	v28 =	vadd.f32 v55, v34;
	v55 =	vmul.f32 v45, v44  }
0xfd: {  	v38 =	vld [tilespmem:s31+$0xFFFFFEF0];
	v29 =	vmul.f32 v35, v29;
	v23 =	vadd.f32 v13, v23;
	v13 =	vmul.f32 v15, v11  }
0xfe: {  	v61 =	vld [tilespmem:s31+$0xFFFFFF60];
	v27 =	vadd.f32 v32, v40;
	v32 =	vadd.f32 v50, v12;
	v12 =	vmul.f32 v60, v10  }
0xff: {  	v36 =	vld [tilespmem:s31+$0x150];
	v15 =	vmul.f32 v43, v39;
	v13 =	vadd.f32 v13, v22;
	v22 =	vmul.f32 v14, v11  }
0x100: {  	v54 =	vld [tilespmem:s31+$0xFFFFFFE0];
	v14 =	vadd.f32 v12, v31;
	v31 =	vmul.f32 v57, v56;
	v18 =	vmul.f32 v51, v18  }
0x101: {  	v58 =	vld [tilespmem:s14+$0x60];
	v12 =	vadd.f32 v22, v19;
	v19 =	vmul.f32 v15, v5;
	v22 =	vmul.f32 v55, v7  }
0x102: {  	v59 =	vld [tilespmem:s31+$0x60];
	v15 =	vadd.f32 v24, v21;
	v21 =	vmul.f32 v29, v5;
	v24 =	vmul.f32 v38, v37  }
0x103: {  	v19 =	vadd.f32 v19, v25;
	v20 =	vadd.f32 v22, v20;
	v22 =	vmul.f32 v61, v41;
	v25 =	vld [tilespmem:s14+$0x70]  }
0x104: {  	v18 =	vmul.f32 v18, v7;
	v21 =	vadd.f32 v21, v26;
	v24 =	vmul.f32 v24, v7;
	v26 =	vld [tilespmem:s31+$0x70]  }
0x105: {  	v60 =	vld [tilespmem:s14+$0xE0];
	v20 =	vadd.f32 v20, v19;
	v19 =	vmul.f32 v22, v5;
	v22 =	vmul.f32 v54, v53  }
0x106: {  	v31 =	vmul.f32 v31, v7;
	v61 =	vld [tilespmem:s31+$0xE0];
	v63 =	vadd.f32 v18, v63;
	v24 =	vadd.f32 v24, v17  }
0x107: {  	v18 =	vld [tilespmem:s31+$0xF0];
	v28 =	vadd.f32 v19, v28;
	v19 =	vmul.f32 v22, v5;
	v22 =	vmul.f32 v59, v58  }
0x108: {  	s6 =	simm.s32 $0x10980;
	v52 =	vmul.f32 v36, v46;
	v23 =	vadd.f32 v31, v23;
	v17 =	vld [tilespmem:s14+$0xF0]  }
0x109: {  	[tilespmem:s6+$0x180] =	vst v16;
	v24 =	vadd.f32 v24, v21;
	v21 =	vld [tilespmem:s31+$0x160];
	v25 =	vmul.f32 v26, v25;
	v22 =	vmul.f32 v22, v5  }
0x10a: {  	s7 =	sshll.u32 s7, $0x7;
	v62 =	vmul.f32 v52, v11;
	[tilespmem:s6+$0xFFFFFE00] =	vst v20;
	v27 =	vadd.f32 v19, v27;
	v19 =	vld [tilespmem:s14+$0x160];
	v28 =	vadd.f32 v63, v28  }
0x10b: {  	s29 =	sor.u32 $0x10510, s7;
	v26 =	vmul.f32 v61, v60;
	[tilespmem:s6+$0xFFFFFE80] =	vst v24;
	v25 =	vmul.f32 v25, v7;
	v20 =	vadd.f32 v22, v32;
	v22 =	vld [tilespmem:s14+$0x170]  }
0x10c: {  	s30 =	sor.u32 $0x10410, s7;
	s7 =	simm.s32 $0x0;
	v16 =	vadd.f32 v62, v47;
	[tilespmem:s6+$0xFFFFFF00] =	vst v28;
	v24 =	vadd.f32 v23, v27;
	v23 =	vld [tilespmem:s31+$0x170];
	s14 =	sadd.s32 $0x400, s14  }
.LBB2_8:
0x10d: {  	v27 =	vld [tilespmem:s14+$0x1E0];
	v13 =	vadd.f32 v25, v13;
	v25 =	vmul.f32 v26, v5;
	v17 =	vmul.f32 v18, v17;
	s31 =	sadd.s32 $0x400, s31  }
0x10e: {  	v18 =	vld [tilespmem:s31+$0x1E0];
	[tilespmem:s6+$0xFFFFFF80] =	vst v24  }
0x10f: {  	v24 =	vld [tilespmem:s14+$0x1C0];
	v14 =	vadd.f32 v25, v14;
	v17 =	vmul.f32 v17, v7;
	v19 =	vmul.f32 v21, v19  }
0x110: {  	v13 =	vadd.f32 v13, v20;
	v21 =	vld [tilespmem:s31+$0x1C0]  }
0x111: {  	v20 =	vld [tilespmem:s14+$0x1D0];
	v12 =	vadd.f32 v17, v12;
	v17 =	vmul.f32 v19, v5;
	v19 =	vmul.f32 v23, v22  }
0x112: {  	v22 =	vld [tilespmem:s31+$0x1D0];
	[tilespmem:s6+$0x0] =	vst v13  }
0x113: {  	v13 =	vld [tilespmem:s14+$0x180];
	v12 =	vadd.f32 v12, v14;
	v14 =	vadd.f32 v17, v15;
	v15 =	vmul.f32 v19, v7  }
0x114: {  	v17 =	vld [tilespmem:s31+$0x180]  }
0x115: {  	v19 =	vld [tilespmem:s14+$0x190];
	[tilespmem:s6+$0x80] =	vst v12;
	v12 =	vadd.f32 v15, v16  }
0x116: {  	v15 =	vld [tilespmem:s31+$0x190]  }
0x117: {  	v16 =	vld [tilespmem:s14+$0x1A0];
	v12 =	vadd.f32 v12, v14  }
0x118: {  	v14 =	vld [tilespmem:s31+$0x1A0]  }
0x119: {  	v23 =	vld [tilespmem:s14+$0x1B0];
	[tilespmem:s6+$0x100] =	vst v12  }
0x11a: {  	s7 =	sadd.s32 $0x8, s7;
	v25 =	vld [tilespmem:s31+$0x1B0]  }
0x11b: {  	p1 =	slt.u32 s7, $0x78;
	v12 =	vld [tilespmem:s31+$0xFFFFFE00]  }
0x11c: {  	v18 =	vmul.f32 v18, v27;
	v26 =	vld [tilespmem:s14+$0x1F0]  }
0x11d: {  	v21 =	vmul.f32 v21, v24;
	v20 =	vmul.f32 v22, v20;
	v22 =	vld [tilespmem:s31+$0x1F0]  }
0x11e: {  	v13 =	vmul.f32 v17, v13;
	v15 =	vmul.f32 v15, v19;
	v24 =	vld [tilespmem:s14+$0xFFFFFE10]  }
0x11f: {  	v14 =	vmul.f32 v14, v16;
	v17 =	vld [tilespmem:s31+$0xFFFFFE10];
	v16 =	vmul.f32 v25, v23  }
0x120: {  	v13 =	vmul.f32 v13, v4;
	v15 =	vmul.f32 v15, v6;
	v19 =	vld [tilespmem:s14+$0xFFFFFE20]  }
0x121: {  	v14 =	vmul.f32 v14, v8;
	v23 =	vld [tilespmem:s31+$0xFFFFFE20];
	v16 =	vmul.f32 v16, v9  }
0x122: {  	v21 =	vmul.f32 v21, v10;
	v25 =	vld [tilespmem:s14+$0xFFFFFE30];
	v22 =	vmul.f32 v22, v26  }
0x123: {  	v13 =	vadd.f32 v14, v13;
	v26 =	vld [tilespmem:s31+$0xFFFFFE30];
	v14 =	vadd.f32 v16, v15;
	v15 =	vmul.f32 v20, v11  }
0x124: {  	v18 =	vmul.f32 v18, v5;
	v16 =	vmul.f32 v17, v24;
	v17 =	vld [tilespmem:s14+$0xFFFFFE80]  }
0x125: {  	v13 =	vadd.f32 v21, v13;
	v20 =	vld [tilespmem:s31+$0xFFFFFE80];
	v14 =	vadd.f32 v15, v14;
	v15 =	vmul.f32 v22, v7  }
0x126: {  	v16 =	vmul.f32 v16, v6;
	v19 =	vmul.f32 v23, v19;
	v21 =	vld [tilespmem:s14+$0xFFFFFE90]  }
0x127: {  	v18 =	vadd.f32 v18, v13;
	v22 =	vld [tilespmem:s31+$0xFFFFFE90];
	v14 =	vadd.f32 v15, v14  }
0x128: {  	v13 =	vmul.f32 v19, v8;
	v15 =	vmul.f32 v26, v25;
	v19 =	vld [tilespmem:s14+$0xFFFFFEA0]  }
0x129: {  	v23 =	vld [tilespmem:s31+$0xFFFFFEA0];
	v14 =	vadd.f32 v14, v18  }
0x12a: {  	s6 =	sadd.s32 $0x400, s6;
	v15 =	vmul.f32 v15, v9;
	v17 =	vmul.f32 v20, v17;
	v18 =	vld [tilespmem:s14+$0xFFFFFEB0]  }
0x12b: {  	v20 =	vld [tilespmem:s31+$0xFFFFFEB0];
	[tilespmem:s6+$0x180] =	vst v14  }
0x12c: {  	v14 =	vadd.f32 v15, v16;
	v15 =	vmul.f32 v17, v4;
	v16 =	vmul.f32 v22, v21;
	v17 =	vld [tilespmem:s14+$0xFFFFFF00]  }
0x12d: {  	v21 =	vld [tilespmem:s31+$0xFFFFFF00]  }
0x12e: {  	v16 =	vmul.f32 v16, v6;
	v19 =	vmul.f32 v23, v19;
	v22 =	vld [tilespmem:s14+$0xFFFFFF10]  }
0x12f: {  	v23 =	vld [tilespmem:s31+$0xFFFFFF10]  }
0x130: {  	v19 =	vmul.f32 v19, v8;
	v18 =	vmul.f32 v20, v18;
	v20 =	vld [tilespmem:s14+$0xFFFFFF20]  }
0x131: {  	v24 =	vld [tilespmem:s31+$0xFFFFFF20]  }
0x132: {  	v15 =	vadd.f32 v19, v15;
	v18 =	vmul.f32 v18, v9;
	v17 =	vmul.f32 v21, v17;
	v19 =	vld [tilespmem:s14+$0xFFFFFF30]  }
0x133: {  	v21 =	vld [tilespmem:s31+$0xFFFFFF30]  }
0x134: {  	v16 =	vadd.f32 v18, v16;
	v17 =	vmul.f32 v17, v4;
	v18 =	vmul.f32 v23, v22;
	v22 =	vld [tilespmem:s14+$0xFFFFFF80]  }
0x135: {  	v23 =	vld [tilespmem:s31+$0xFFFFFF80]  }
0x136: {  	v18 =	vmul.f32 v18, v6;
	v20 =	vmul.f32 v24, v20;
	v24 =	vld [tilespmem:s14+$0xFFFFFF90]  }
0x137: {  	v25 =	vld [tilespmem:s31+$0xFFFFFF90]  }
0x138: {  	v20 =	vmul.f32 v20, v8;
	v19 =	vmul.f32 v21, v19;
	v21 =	vld [tilespmem:s14+$0xFFFFFFA0]  }
0x139: {  	v26 =	vld [tilespmem:s31+$0xFFFFFFA0]  }
0x13a: {  	v17 =	vadd.f32 v20, v17;
	v19 =	vmul.f32 v19, v9;
	v20 =	vmul.f32 v23, v22;
	v22 =	vld [tilespmem:s14+$0xFFFFFFB0]  }
0x13b: {  	v23 =	vld [tilespmem:s31+$0xFFFFFFB0]  }
0x13c: {  	v18 =	vadd.f32 v19, v18;
	v19 =	vmul.f32 v20, v4;
	v20 =	vmul.f32 v25, v24;
	v24 =	vld [tilespmem:s14+$0x0]  }
0x13d: {  	v25 =	vld [tilespmem:s31+$0x0]  }
0x13e: {  	v20 =	vmul.f32 v20, v6;
	v21 =	vmul.f32 v26, v21;
	v26 =	vld [tilespmem:s14+$0x10]  }
0x13f: {  	v27 =	vld [tilespmem:s31+$0x10]  }
0x140: {  	v21 =	vmul.f32 v21, v8;
	v22 =	vmul.f32 v23, v22;
	v23 =	vld [tilespmem:s14+$0x20]  }
0x141: {  	v28 =	vld [tilespmem:s31+$0x20]  }
0x142: {  	v19 =	vadd.f32 v21, v19;
	v21 =	vmul.f32 v22, v9;
	v22 =	vmul.f32 v25, v24;
	v24 =	vld [tilespmem:s14+$0x30]  }
0x143: {  	v25 =	vld [tilespmem:s31+$0x30]  }
0x144: {  	v20 =	vadd.f32 v21, v20;
	v21 =	vmul.f32 v22, v4;
	v22 =	vmul.f32 v27, v26;
	v26 =	vld [tilespmem:s14+$0x80]  }
0x145: {  	v27 =	vld [tilespmem:s31+$0x80]  }
0x146: {  	v22 =	vmul.f32 v22, v6;
	v23 =	vmul.f32 v28, v23;
	v28 =	vld [tilespmem:s14+$0x90]  }
0x147: {  	v29 =	vld [tilespmem:s31+$0x90]  }
0x148: {  	v23 =	vmul.f32 v23, v8;
	v24 =	vmul.f32 v25, v24;
	v25 =	vld [tilespmem:s14+$0xA0]  }
0x149: {  	v30 =	vld [tilespmem:s31+$0xA0]  }
0x14a: {  	v21 =	vadd.f32 v23, v21;
	v23 =	vmul.f32 v24, v9;
	v24 =	vmul.f32 v27, v26;
	v26 =	vld [tilespmem:s14+$0xB0]  }
0x14b: {  	v27 =	vld [tilespmem:s31+$0xB0]  }
0x14c: {  	v22 =	vadd.f32 v23, v22;
	v23 =	vmul.f32 v24, v4;
	v24 =	vmul.f32 v29, v28;
	v28 =	vld [tilespmem:s14+$0x100]  }
0x14d: {  	v29 =	vld [tilespmem:s31+$0x100]  }
0x14e: {  	v24 =	vmul.f32 v24, v6;
	v25 =	vmul.f32 v30, v25;
	v30 =	vld [tilespmem:s14+$0x110]  }
0x14f: {  	v31 =	vld [tilespmem:s31+$0x110]  }
0x150: {  	v25 =	vmul.f32 v25, v8;
	v26 =	vmul.f32 v27, v26;
	v27 =	vld [tilespmem:s14+$0x120]  }
0x151: {  	v32 =	vld [tilespmem:s31+$0x120]  }
0x152: {  	v23 =	vadd.f32 v25, v23;
	v25 =	vmul.f32 v26, v9;
	v26 =	vmul.f32 v29, v28;
	v28 =	vld [tilespmem:s14+$0x130]  }
0x153: {  	v29 =	vld [tilespmem:s31+$0x130]  }
0x154: {  	v33 =	vld [tilespmem:s14+$0xFFFFFE00];
	v24 =	vadd.f32 v25, v24;
	v25 =	vmul.f32 v26, v4;
	v26 =	vmul.f32 v31, v30  }
0x155: {  	v30 =	vld [tilespmem:s14+$0xFFFFFE40]  }
0x156: {  	v31 =	vld [tilespmem:s31+$0xFFFFFE40];
	v26 =	vmul.f32 v26, v6;
	v27 =	vmul.f32 v32, v27  }
0x157: {  	v32 =	vld [tilespmem:s14+$0xFFFFFE50]  }
0x158: {  	v34 =	vld [tilespmem:s31+$0xFFFFFE50];
	v27 =	vmul.f32 v27, v8;
	v28 =	vmul.f32 v29, v28  }
0x159: {  	v12 =	vmul.f32 v12, v33;
	v29 =	vld [tilespmem:s14+$0xFFFFFEC0]  }
0x15a: {  	v33 =	vld [tilespmem:s31+$0xFFFFFEC0];
	v25 =	vadd.f32 v27, v25;
	v27 =	vmul.f32 v28, v9  }
0x15b: {  	v12 =	vmul.f32 v12, v4;
	v28 =	vmul.f32 v31, v30;
	v30 =	vld [tilespmem:s14+$0xFFFFFED0]  }
0x15c: {  	v31 =	vld [tilespmem:s31+$0xFFFFFED0];
	v26 =	vadd.f32 v27, v26  }
0x15d: {  	v12 =	vadd.f32 v13, v12;
	v13 =	vmul.f32 v28, v10;
	v27 =	vmul.f32 v34, v32;
	v28 =	vld [tilespmem:s14+$0xFFFFFF40]  }
0x15e: {  	v32 =	vld [tilespmem:s31+$0xFFFFFF40]  }
0x15f: {  	v34 =	vadd.f32 v13, v12;
	v12 =	vmul.f32 v27, v11;
	v13 =	vmul.f32 v33, v29;
	v27 =	vld [tilespmem:s14+$0xFFFFFF50]  }
0x160: {  	v29 =	vld [tilespmem:s31+$0xFFFFFF50]  }
0x161: {  	v33 =	vadd.f32 v12, v14;
	v12 =	vmul.f32 v13, v10;
	v13 =	vmul.f32 v31, v30;
	v14 =	vld [tilespmem:s14+$0xFFFFFFC0]  }
0x162: {  	v30 =	vld [tilespmem:s31+$0xFFFFFFC0]  }
0x163: {  	v31 =	vadd.f32 v12, v15;
	v12 =	vmul.f32 v13, v11;
	v13 =	vmul.f32 v32, v28;
	v15 =	vld [tilespmem:s14+$0xFFFFFFD0]  }
0x164: {  	v28 =	vld [tilespmem:s31+$0xFFFFFFD0]  }
0x165: {  	v32 =	vadd.f32 v12, v16;
	v12 =	vmul.f32 v13, v10;
	v13 =	vmul.f32 v29, v27;
	v16 =	vld [tilespmem:s14+$0x40]  }
0x166: {  	v27 =	vld [tilespmem:s31+$0x40]  }
0x167: {  	v17 =	vadd.f32 v12, v17;
	v12 =	vmul.f32 v13, v11;
	v13 =	vmul.f32 v30, v14;
	v14 =	vld [tilespmem:s14+$0x50]  }
0x168: {  	v29 =	vld [tilespmem:s31+$0x50]  }
0x169: {  	v18 =	vadd.f32 v12, v18;
	v12 =	vmul.f32 v13, v10;
	v13 =	vmul.f32 v28, v15;
	v15 =	vld [tilespmem:s14+$0xC0]  }
0x16a: {  	v28 =	vld [tilespmem:s31+$0xC0]  }
0x16b: {  	v19 =	vadd.f32 v12, v19;
	v12 =	vmul.f32 v13, v11;
	v13 =	vmul.f32 v27, v16;
	v16 =	vld [tilespmem:s14+$0xD0]  }
0x16c: {  	v27 =	vld [tilespmem:s31+$0xD0]  }
0x16d: {  	v20 =	vadd.f32 v12, v20;
	v12 =	vmul.f32 v13, v10;
	v13 =	vmul.f32 v29, v14;
	v29 =	vld [tilespmem:s14+$0x140]  }
0x16e: {  	v30 =	vld [tilespmem:s31+$0x140]  }
0x16f: {  	v35 =	vadd.f32 v12, v21;
	v12 =	vmul.f32 v13, v11;
	v14 =	vmul.f32 v28, v15;
	v15 =	vld [tilespmem:s14+$0x150]  }
0x170: {  	v21 =	vld [tilespmem:s31+$0x150]  }
0x171: {  	v28 =	vld [tilespmem:s14+$0xFFFFFE60];
	v13 =	vadd.f32 v12, v22;
	v12 =	vmul.f32 v14, v10;
	v16 =	vmul.f32 v27, v16  }
0x172: {  	v22 =	vld [tilespmem:s31+$0xFFFFFE60]  }
0x173: {  	v27 =	vld [tilespmem:s14+$0xFFFFFE70];
	v14 =	vadd.f32 v12, v23;
	v12 =	vmul.f32 v16, v11;
	v16 =	vmul.f32 v30, v29  }
0x174: {  	v23 =	vld [tilespmem:s31+$0xFFFFFE70]  }
0x175: {  	v29 =	vld [tilespmem:s14+$0xFFFFFEE0];
	v12 =	vadd.f32 v12, v24;
	v16 =	vmul.f32 v16, v10;
	v21 =	vmul.f32 v21, v15  }
0x176: {  	v24 =	vld [tilespmem:s31+$0xFFFFFEE0]  }
0x177: {  	v22 =	vmul.f32 v22, v28;
	v28 =	vld [tilespmem:s14+$0xFFFFFEF0];
	v15 =	vadd.f32 v16, v25;
	v16 =	vmul.f32 v21, v11  }
0x178: {  	v21 =	vld [tilespmem:s31+$0xFFFFFEF0]  }
0x179: {  	v22 =	vmul.f32 v22, v5;
	v23 =	vmul.f32 v23, v27;
	v25 =	vld [tilespmem:s14+$0xFFFFFF60];
	v16 =	vadd.f32 v16, v26  }
0x17a: {  	v26 =	vld [tilespmem:s31+$0xFFFFFF60]  }
0x17b: {  	v22 =	vadd.f32 v22, v34;
	v23 =	vmul.f32 v23, v7;
	v24 =	vmul.f32 v24, v29;
	v27 =	vld [tilespmem:s14+$0xFFFFFF70]  }
0x17c: {  	v29 =	vld [tilespmem:s31+$0xFFFFFF70]  }
0x17d: {  	v23 =	vadd.f32 v23, v33;
	v24 =	vmul.f32 v24, v5;
	v21 =	vmul.f32 v21, v28;
	v28 =	vld [tilespmem:s14+$0xFFFFFFE0]  }
0x17e: {  	v30 =	vld [tilespmem:s31+$0xFFFFFFE0]  }
0x17f: {  	v24 =	vadd.f32 v24, v31;
	v21 =	vmul.f32 v21, v7;
	v25 =	vmul.f32 v26, v25;
	v26 =	vld [tilespmem:s14+$0xFFFFFFF0]  }
0x180: {  	v22 =	vadd.f32 v23, v22;
	v23 =	vld [tilespmem:s31+$0xFFFFFFF0]  }
0x181: {  	v21 =	vadd.f32 v21, v32;
	v25 =	vmul.f32 v25, v5;
	v27 =	vmul.f32 v29, v27;
	v29 =	vld [tilespmem:s14+$0x60]  }
0x182: {  	[tilespmem:s6+$0xFFFFFE00] =	vst v22;
	v22 =	vld [tilespmem:s31+$0x60]  }
0x183: {  	v25 =	vadd.f32 v25, v17;
	v17 =	vmul.f32 v27, v7;
	v27 =	vmul.f32 v30, v28;
	v28 =	vld [tilespmem:s14+$0x70]  }
0x184: {  	v21 =	vadd.f32 v21, v24;
	v24 =	vld [tilespmem:s31+$0x70]  }
0x185: {  	v18 =	vadd.f32 v17, v18;
	v17 =	vmul.f32 v27, v5;
	v23 =	vmul.f32 v23, v26;
	v26 =	vld [tilespmem:s14+$0xE0]  }
0x186: {  	[tilespmem:s6+$0xFFFFFE80] =	vst v21;
	v27 =	vld [tilespmem:s31+$0xE0]  }
0x187: {  	v30 =	vadd.f32 v17, v19;
	v19 =	vmul.f32 v23, v7;
	v21 =	vmul.f32 v22, v29;
	v17 =	vld [tilespmem:s14+$0xF0]  }
.Ltmp2:
0x188: {  	v22 =	vadd.f32 v18, v25;
	v18 =	vld [tilespmem:s31+$0xF0];
	(pc) =	sbr.rel @p1 .LBB2_8-.Ltmp2, $4  }
0x189: {  	v23 =	vadd.f32 v19, v20;
	v20 =	vmul.f32 v21, v5;
	v24 =	vmul.f32 v24, v28;
	v19 =	vld [tilespmem:s14+$0x160]  }
0x18a: {  	[tilespmem:s6+$0xFFFFFF00] =	vst v22;
	v21 =	vld [tilespmem:s31+$0x160]  }
0x18b: {  	v20 =	vadd.f32 v20, v35;
	v25 =	vmul.f32 v24, v7;
	v26 =	vmul.f32 v27, v26;
	v22 =	vld [tilespmem:s14+$0x170]  }
0x18c: {  	v24 =	vadd.f32 v23, v30;
	s14 =	sadd.s32 $0x400, s14;
	v23 =	vld [tilespmem:s31+$0x170]  }
0x18d: {  	_ =	sdelay $0x2  }
0x18e: {  	v4 =	vmul.f32 v26, v5;
	v6 =	vmul.f32 v18, v17  }
0x18f: {  	v8 =	vmul.f32 v21, v19;
	v9 =	vmul.f32 v23, v22  }
0x190: {  	v10 =	vadd.f32 v25, v13;
	v6 =	vmul.f32 v6, v7  }
0x191: {  	v4 =	vadd.f32 v4, v14;
	v5 =	vmul.f32 v8, v5;
	v7 =	vmul.f32 v9, v7  }
0x192: {  	v8 =	vadd.f32 v10, v20;
	v6 =	vadd.f32 v6, v12  }
0x193: {  	v5 =	vadd.f32 v5, v15;
	v7 =	vadd.f32 v7, v16  }
0x194: {  	[tilespmem:s6+$0xFFFFFF80] =	vst v24;
	v4 =	vadd.f32 v6, v4  }
0x195: {  	[tilespmem:s6+$0x0] =	vst v8;
	v5 =	vadd.f32 v7, v5  }
0x196: {  	[tilespmem:s6+$0x80] =	vst v4  }
0x197: {  	s7 =	sadd.s32 $0x3, s28;
	[tilespmem:s6+$0x100] =	vst v5  }
0x198: {  	_ =	swait.ge [sflag:s7], $0x80  }
0x199: {  	[sflag:s7] =	ssyncset.done $0x0  }
0x19a: {  	[sflag:s7] =	ssyncadd.s32 $0xFFFFFF80  }
0x19b: {  	_ =	swait.ge [sflag:s7], $0x80  }
0x19c: {  	[sflag:s7] =	ssyncset.done $0x0  }
0x19d: {  	s14 =	simm.s32 $0x10F80;
	[sflag:s7] =	ssyncadd.s32 $0xFFFFFF80  }
0x19e: {  	v4 =	vld [tilespmem:s14+$0x0]  }
0x19f: {  	v5 =	vld [tilespmem:s14+$0x400]  }
0x1a0: {  	v6 =	vld [tilespmem:s14+$0x200]  }
0x1a1: {  	v7 =	vld [tilespmem:s14+$0x600]  }
0x1a2: {  	v8 =	vld [tilespmem:s14+$0x100]  }
0x1a3: {  	v9 =	vld [tilespmem:s14+$0x500]  }
0x1a4: {  	v10 =	vld [tilespmem:s14+$0x300]  }
0x1a5: {  	v11 =	vld [tilespmem:s14+$0x700]  }
0x1a6: {  	v13 =	vld [tilespmem:s14+$0x480]  }
0x1a7: {  	v44 =	vld [tilespmem:s14+$0x180]  }
0x1a8: {  	v28 =	vld [tilespmem:s14+$0xFFFFFC00]  }
0x1a9: {  	v51 =	vld [tilespmem:s14+$0xFFFFFA00];
	v14 =	vperm.xlane v4, v0;
	v15 =	vperm.xlane v5, v0  }
0x1aa: {  	v53 =	vld [tilespmem:s14+$0xFFFFFE00];
	v17 =	vperm.xlane v6, v0;
	v18 =	vperm.xlane v7, v0  }
0x1ab: {  	v57 =	vld [tilespmem:s14+$0xFFFFFA80];
	v42 =	vperm.xlane v8, v0;
	v43 =	vperm.xlane v9, v0  }
0x1ac: {  	v12 =	vld [tilespmem:s14+$0x80];
	v45 =	vperm.xlane v10, v0;
	v46 =	vperm.xlane v11, v0  }
0x1ad: {  	v16 =	vld [tilespmem:s14+$0x280];
	v48 =	vperm.xlane v13, v0;
	v49 =	vperm.xlane v44, v0  }
0x1ae: {  	v19 =	vld [tilespmem:s14+$0x680];
	v52 =	vperm.xlane v28, v0;
	v58 =	vperm.xlane v51, v0  }
0x1af: {  	v47 =	vld [tilespmem:s14+$0x580];
	v60 =	vperm.xlane v53, v0;
	v4 =	vadd.f32 v14, v4;
	v5 =	vadd.f32 v15, v5  }
0x1b0: {  	v27 =	vld [tilespmem:s14+$0x380];
	v38 =	vperm.xlane v57, v0;
	v6 =	vadd.f32 v17, v6;
	v7 =	vadd.f32 v18, v7  }
0x1b1: {  	v14 =	vperm.xlane v12, v0;
	v8 =	vadd.f32 v42, v8;
	v9 =	vadd.f32 v43, v9  }
0x1b2: {  	v15 =	vperm.xlane v16, v0;
	v10 =	vadd.f32 v45, v10;
	v11 =	vadd.f32 v46, v11  }
0x1b3: {  	v18 =	vperm.xlane v19, v0;
	v13 =	vadd.f32 v48, v13;
	v21 =	vadd.f32 v58, v51  }
0x1b4: {  	v12 =	vadd.f32 v14, v12;
	v14 =	vperm.xlane v47, v0;
	v15 =	vadd.f32 v15, v16  }
0x1b5: {  	v17 =	vld [tilespmem:s14+$0x780];
	v16 =	vperm.xlane v27, v0;
	v18 =	vadd.f32 v18, v19;
	v19 =	vadd.f32 v49, v44  }
0x1b6: {  	v4 =	vsel vm2, v4, v5;
	v8 =	vsel vm2, v8, v9;
	v9 =	vsel vm2, v10, v11  }
0x1b7: {  	v5 =	vsel vm2, v6, v7;
	v54 =	vperm.xlane v9, v1;
	v14 =	vadd.f32 v14, v47  }
0x1b8: {  	v7 =	vld [tilespmem:s14+$0xFFFFF900];
	v16 =	vadd.f32 v16, v27;
	v10 =	vsel vm2, v12, v13;
	v12 =	vperm.xlane v4, v1  }
0x1b9: {  	v11 =	vld [tilespmem:s14+$0xFFFFFD00];
	v13 =	vperm.xlane v5, v1;
	v15 =	vsel vm2, v15, v18;
	v18 =	vperm.xlane v8, v1  }
0x1ba: {  	v50 =	vperm.xlane v17, v0;
	v55 =	vperm.xlane v10, v1;
	v9 =	vadd.f32 v54, v9  }
0x1bb: {  	v56 =	vperm.xlane v15, v1;
	v4 =	vadd.f32 v12, v4;
	v5 =	vadd.f32 v13, v5  }
0x1bc: {  	v59 =	vld [tilespmem:s14+$0xFFFFFE80];
	v14 =	vsel vm2, v19, v14;
	v8 =	vadd.f32 v18, v8;
	v6 =	vadd.f32 v50, v17  }
0x1bd: {  	v19 =	vld [tilespmem:s14+$0xFFFFFF00];
	v12 =	vperm.xlane v14, v1;
	v10 =	vadd.f32 v55, v10;
	v15 =	vadd.f32 v56, v15  }
0x1be: {  	v13 =	vld [tilespmem:s14+$0xFFFFFC80];
	v63 =	vperm.xlane v7, v0;
	v29 =	vperm.xlane v11, v0;
	v4 =	vsel vm0, v4, v5  }
0x1bf: {  	v5 =	vsel vm0, v8, v9;
	v6 =	vsel vm2, v16, v6;
	v12 =	vadd.f32 v12, v14  }
0x1c0: {  	v9 =	vld [tilespmem:s14+$0xFFFFF980];
	v8 =	vsel vm0, v10, v15;
	v10 =	vperm.xlane v4, v2;
	v15 =	vperm.xlane v5, v2  }
0x1c1: {  	v16 =	vld [tilespmem:s14+$0xFFFFF880];
	v7 =	vadd.f32 v63, v7;
	v11 =	vadd.f32 v29, v11;
	v18 =	vperm.xlane v6, v1  }
0x1c2: {  	v39 =	vperm.xlane v59, v0;
	v14 =	vld [tilespmem:s14+$0xFFFFF800];
	v4 =	vadd.f32 v10, v4;
	v5 =	vadd.f32 v15, v5  }
0x1c3: {  	v15 =	vld [tilespmem:s14+$0xFFFFFD80];
	v31 =	vperm.xlane v19, v0;
	v34 =	vperm.xlane v13, v0;
	v6 =	vadd.f32 v18, v6  }
0x1c4: {  	v62 =	vld [tilespmem:s30+$0x0];
	v7 =	vsel vm2, v7, v11;
	v18 =	vperm.xlane v8, v2;
	v5 =	vsel vm1, v4, v5  }
0x1c5: {  	v10 =	vld [tilespmem:s29+$0x0];
	v40 =	vperm.xlane v9, v0;
	v11 =	vadd.f32 v31, v19;
	v6 =	vsel vm0, v12, v6  }
0x1c6: {  	v13 =	vadd.f32 v34, v13;
	v12 =	vadd.f32 v52, v28;
	v61 =	vperm.xlane v6, v2  }
0x1c7: {  	v37 =	vld [tilespmem:$0x10700];
	v8 =	vadd.f32 v18, v8;
	v18 =	vperm.xlane v14, v0;
	v33 =	vperm.xlane v16, v0  }
0x1c8: {  	v17 =	vld [tilespmem:s14+$0xFFFFFB00];
	v9 =	vadd.f32 v40, v9;
	v41 =	vperm.xlane v15, v0;
	v6 =	vadd.f32 v61, v6  }
0x1c9: {  	v30 =	vld [tilespmem:s14+$0xFFFFFB80];
	v14 =	vadd.f32 v18, v14;
	v18 =	vperm.xlane v5, v3;
	v16 =	vadd.f32 v33, v16  }
0x1ca: {  	v10 =	vadd.f32 v10, v62;
	v15 =	vadd.f32 v41, v15;
	v6 =	vsel vm1, v8, v6;
	v8 =	vld [tilespmem:s14+$0xFFFFFF80]  }
0x1cb: {  	v5 =	vadd.f32 v18, v5;
	v13 =	vsel vm2, v16, v13;
	v32 =	vperm.xlane v6, v3  }
0x1cc: {  	v4 =	vld [tilespmem:$0x10680];
	v16 =	vperm.xlane v13, v1;
	s14 =	simm.s32 $0x11F80;
	v9 =	vsel vm2, v9, v15;
	v15 =	vperm.xlane v7, v1  }
0x1cd: {  	v36 =	vperm.xlane v17, v0;
	v18 =	vadd.f32 v60, v53;
	v42 =	vld [tilespmem:s14+$0x480];
	v6 =	vadd.f32 v32, v6  }
0x1ce: {  	v10 =	vmul.f32 v10, v37;
	v13 =	vadd.f32 v16, v13;
	v7 =	vadd.f32 v15, v7  }
0x1cf: {  	v19 =	vld [tilespmem:s29+$0xFFFFFFF0];
	v5 =	vsel vm3, v5, v6;
	v6 =	vperm.xlane v30, v0;
	v35 =	vperm.xlane v8, v0  }
0x1d0: {  	v45 =	vld [tilespmem:s14+$0x280];
	v5 =	vadd.f32 v10, v5;
	v10 =	vsel vm2, v14, v12;
	v14 =	vadd.f32 v36, v17  }
0x1d1: {  	v54 =	vld [tilespmem:s14+$0x380];
	v12 =	vsel vm2, v21, v18;
	v6 =	vadd.f32 v6, v30;
	v8 =	vadd.f32 v35, v8  }
0x1d2: {  	v56 =	vld [tilespmem:s14+$0x780];
	v53 =	vperm.xlane v42, v0;
	v17 =	vperm.xlane v10, v1;
	v5 =	vadd.f32 v5, v4  }
0x1d3: {  	v21 =	vld [tilespmem:s14+$0xFFFFFB00];
	v11 =	vsel vm2, v14, v11;
	v14 =	vadd.f32 v38, v57;
	v6 =	vsel vm2, v6, v8  }
0x1d4: {  	v57 =	vld [tilespmem:s14+$0xFFFFFC00];
	v8 =	vadd.f32 v17, v10;
	v10 =	vperm.xlane v11, v1;
	v5 =	vsub.f32 $0.0e+00, v5  }
0x1d5: {  	v18 =	vadd.f32 v39, v59;
	v55 =	vperm.xlane v45, v0;
	v20 =	vadd.f32 v53, v42;
	v42 =	vld [tilespmem:s14+$0xFFFFF880]  }
0x1d6: {  	v17 =	vld [tilespmem:s30+$0xFFFFFFF0];
	v10 =	vadd.f32 v10, v11;
	v11 =	vperm.xlane v6, v1;
	v5 =	vmul.f32 $1.442695020e+00, v5  }
0x1d7: {  	v59 =	vperm.xlane v54, v0;
	v60 =	vperm.xlane v56, v0;
	v58 =	vadd.f32 v55, v45  }
0x1d8: {  	v6 =	vadd.f32 v11, v6;
	v11 =	vld [tilespmem:s14+$0x200];
	(erf) = vpow2.f32 v5;
	v5 =	vperm.xlane v12, v1  }
0x1d9: {  	v14 =	vsel vm2, v14, v18;
	v18 =	vperm.xlane v9, v1;
	v55 =	vperm.xlane v21, v0  }
0x1da: {  	v61 =	vld [tilespmem:s14+$0xFFFFFA00];
	v7 =	vsel vm0, v7, v10;
	v5 =	vadd.f32 v5, v12;
	v12 =	vperm.xlane v14, v1  }
0x1db: {  	v62 =	vperm.xlane v57, v0;
	v36 =	vperm.xlane v42, v0;
	v16 =	vadd.f32 v19, v17  }
0x1dc: {  	v19 =	vld [tilespmem:s14+$0x80];
	v12 =	vadd.f32 v12, v14;
	v5 =	vsel vm0, v8, v5;
	v8 =	vadd.f32 v18, v9  }
0x1dd: {  	v22 =	vadd.f32 v59, v54;
	v15 =	vperm.xlane v7, v2;
	v14 =	vld [tilespmem:s14+$0x0];
	v46 =	vperm.xlane v11, v0  }
0x1de: {  	v9 =	vld [tilespmem:s14+$0x400];
	v10 =	vperm.xlane v5, v2;
	v12 =	vsel vm0, v13, v12;
	v6 =	vsel vm0, v8, v6  }
0x1df: {  	v8 =	vld [tilespmem:s14+$0x600];
	v11 =	vadd.f32 v46, v11;
	v46 =	vperm.xlane v61, v0;
	v13 =	vperm.xlane v12, v2  }
0x1e0: {  	v7 =	vadd.f32 v15, v7;
	v18 =	vld [tilespmem:s14+$0x100];
	v17 =	vperm.xlane v6, v2;
	v5 =	vadd.f32 v10, v5  }
0x1e1: {  	v52 =	vperm.xlane v19, v0;
	v10 =	vld [tilespmem:s14+$0x500];
	v25 =	vadd.f32 v46, v61;
	v12 =	vadd.f32 v13, v12  }
0x1e2: {  	v15 =	vpop (erf);
	v6 =	vadd.f32 v17, v6;
	v13 =	vld [tilespmem:s14+$0x300];
	v7 =	vsel vm1, v5, v7;
	v5 =	vmul.f32 v37, v16  }
0x1e3: {  	v17 =	vld [tilespmem:s14+$0x700];
	v43 =	vperm.xlane v14, v0;
	v44 =	vperm.xlane v9, v0;
	v15 =	vadd.f32 $1.000000000e+00, v15  }
0x1e4: {  	v48 =	vld [tilespmem:s14+$0x680];
	v16 =	vperm.xlane v7, v3;
	v12 =	vsel vm1, v12, v6;
	v47 =	vperm.xlane v8, v0  }
0x1e5: {  	v45 =	vld [tilespmem:s14+$0xFFFFFA80];
	v14 =	vadd.f32 v43, v14;
	v9 =	vadd.f32 v44, v9;
	(erf) = vrcp.f32 v15  }
0x1e6: {  	v50 =	vld [tilespmem:s14+$0x180];
	v15 =	vperm.xlane v12, v3;
	v6 =	vadd.f32 v16, v7;
	v16 =	vperm.xlane v18, v0  }
0x1e7: {  	v51 =	vld [tilespmem:s14+$0x580];
	v49 =	vperm.xlane v10, v0;
	v8 =	vadd.f32 v47, v8;
	v9 =	vsel vm2, v14, v9  }
0x1e8: {  	v7 =	vadd.f32 v15, v12;
	v12 =	vperm.xlane v13, v0;
	v15 =	vperm.xlane v17, v0  }
0x1e9: {  	v63 =	vld [tilespmem:s14+$0xFFFFFE00];
	v16 =	vadd.f32 v16, v18;
	v18 =	vperm.xlane v48, v0;
	v10 =	vadd.f32 v49, v10  }
0x1ea: {  	v8 =	vsel vm2, v11, v8;
	v11 =	vadd.f32 v60, v56;
	v60 =	vperm.xlane v45, v0  }
0x1eb: {  	v12 =	vadd.f32 v12, v13;
	v13 =	vperm.xlane v50, v0;
	v15 =	vadd.f32 v15, v17  }
0x1ec: {  	v14 =	vld [tilespmem:s14+$0xFFFFF900];
	v17 =	vadd.f32 v52, v19;
	v19 =	vperm.xlane v51, v0;
	v18 =	vadd.f32 v18, v48  }
0x1ed: {  	v10 =	vsel vm2, v16, v10;
	v37 =	vperm.xlane v8, v1;
	v6 =	vsel vm3, v6, v7  }
0x1ee: {  	v48 =	vperm.xlane v63, v0;
	v38 =	vperm.xlane v10, v1;
	v5 =	vadd.f32 v5, v6  }
0x1ef: {  	v11 =	vsel vm2, v22, v11;
	v13 =	vadd.f32 v13, v50;
	v19 =	vadd.f32 v19, v51  }
0x1f0: {  	v43 =	vld [tilespmem:s14+$0xFFFFFC80];
	v12 =	vsel vm2, v12, v15;
	v15 =	vsel vm2, v17, v20;
	v17 =	vperm.xlane v9, v1  }
0x1f1: {  	v18 =	vsel vm2, v58, v18;
	v44 =	vperm.xlane v11, v1;
	v52 =	vperm.xlane v14, v0  }
0x1f2: {  	v8 =	vadd.f32 v37, v8;
	v39 =	vperm.xlane v12, v1;
	v40 =	vperm.xlane v15, v1  }
0x1f3: {  	v41 =	vperm.xlane v18, v1;
	v10 =	vadd.f32 v38, v10;
	v13 =	vsel vm2, v13, v19  }
0x1f4: {  	v47 =	vld [tilespmem:s14+$0xFFFFFE80];
	v9 =	vadd.f32 v17, v9;
	v17 =	vperm.xlane v13, v1;
	v12 =	vadd.f32 v39, v12  }
0x1f5: {  	v16 =	vld [tilespmem:s14+$0xFFFFFD00];
	v37 =	vperm.xlane v43, v0;
	v15 =	vadd.f32 v40, v15;
	v18 =	vadd.f32 v41, v18  }
0x1f6: {  	v11 =	vadd.f32 v44, v11;
	v8 =	vsel vm0, v9, v8;
	v13 =	vadd.f32 v17, v13;
	v17 =	vld [tilespmem:s14+$0xFFFFF800]  }
0x1f7: {  	s6 =	sadd.s32 $0x20, s30;
	v9 =	vsel vm0, v10, v12;
	v10 =	vsel vm0, v15, v18;
	v12 =	vld [tilespmem:s14+$0xFFFFF980];
	v15 =	vperm.xlane v8, v2  }
0x1f8: {  	s7 =	sadd.s32 $0x20, s29;
	v51 =	vld [tilespmem:s6+$0x0];
	v4 =	vadd.f32 v5, v4;
	v18 =	vperm.xlane v9, v2;
	v11 =	vsel vm0, v13, v11  }
0x1f9: {  	v49 =	vperm.xlane v10, v2;
	v8 =	vadd.f32 v15, v8;
	v15 =	vld [tilespmem:s7+$0x0];
	v50 =	vperm.xlane v11, v2  }
0x1fa: {  	v61 =	vperm.xlane v47, v0;
	v19 =	vld [tilespmem:s14+$0xFFFFFF00];
	v20 =	vadd.f32 v37, v43;
	v9 =	vadd.f32 v18, v9  }
0x1fb: {  	v56 =	vld [tilespmem:$0x10700];
	v10 =	vadd.f32 v49, v10;
	v11 =	vadd.f32 v50, v11;
	v54 =	vperm.xlane v17, v0  }
0x1fc: {  	v13 =	vadd.f32 v62, v57;
	v8 =	vsel vm1, v8, v9;
	v62 =	vperm.xlane v12, v0  }
0x1fd: {  	v18 =	vld [tilespmem:s14+$0xFFFFFD80];
	v9 =	vsel vm1, v10, v11;
	v11 =	vadd.f32 v54, v17;
	v17 =	vperm.xlane v8, v3  }
0x1fe: {  	v38 =	vld [tilespmem:$0x10680];
	v53 =	vperm.xlane v16, v0;
	v15 =	vadd.f32 v15, v51;
	v59 =	vperm.xlane v9, v3  }
0x1ff: {  	v57 =	vld [tilespmem:s14+$0xFFFFFB80];
	v58 =	vperm.xlane v19, v0;
	v12 =	vadd.f32 v62, v12;
	v8 =	vadd.f32 v17, v8  }
0x200: {  	v10 =	vld [tilespmem:s14+$0xFFFFFF80];
	v17 =	vadd.f32 v48, v63;
	v15 =	vmul.f32 v15, v56;
	v9 =	vadd.f32 v59, v9  }
0x201: {  	v11 =	vsel vm2, v11, v13;
	v13 =	vadd.f32 v52, v14;
	v14 =	vadd.f32 v53, v16  }
0x202: {  	v63 =	vperm.xlane v18, v0;
	v16 =	vadd.f32 v55, v21;
	v8 =	vsel vm3, v8, v9  }
0x203: {  	v13 =	vsel vm2, v13, v14;
	v14 =	vadd.f32 v58, v19;
	v8 =	vadd.f32 v15, v8  }
0x204: {  	v19 =	vperm.xlane v11, v1;
	v18 =	vadd.f32 v63, v18;
	v9 =	vperm.xlane v57, v0  }
0x205: {  	v39 =	vperm.xlane v10, v0;
	v15 =	vsel vm2, v25, v17;
	v8 =	vadd.f32 v8, v38  }
0x206: {  	v17 =	vadd.f32 v36, v42;
	v14 =	vsel vm2, v16, v14;
	v16 =	vadd.f32 v60, v45  }
0x207: {  	v36 =	vadd.f32 v61, v47;
	v12 =	vsel vm2, v12, v18;
	v8 =	vsub.f32 $0.0e+00, v8  }
0x208: {  	v18 =	vperm.xlane v13, v1;
	v9 =	vadd.f32 v9, v57;
	v10 =	vadd.f32 v39, v10  }
0x209: {  	v17 =	vsel vm2, v17, v20;
	v16 =	vsel vm2, v16, v36;
	v8 =	vmul.f32 $1.442695020e+00, v8  }
0x20a: {  	v9 =	vsel vm2, v9, v10;
	v10 =	vadd.f32 v19, v11;
	v11 =	vperm.xlane v14, v1  }
0x20b: {  	v6 =	vld [tilespmem:s7+$0xFFFFFFF0];
	s14 =	simm.s32 $0x12F80;
	v13 =	vadd.f32 v18, v13;
	(erf) = vpow2.f32 v8;
	v8 =	vperm.xlane v15, v1  }
0x20c: {  	v40 =	vld [tilespmem:s14+$0x280];
	v19 =	vperm.xlane v17, v1;
	v11 =	vadd.f32 v11, v14;
	v14 =	vperm.xlane v9, v1  }
0x20d: {  	v41 =	vld [tilespmem:s14+$0x680];
	v37 =	vperm.xlane v12, v1;
	v8 =	vadd.f32 v8, v15;
	v15 =	vperm.xlane v16, v1  }
0x20e: {  	v49 =	vld [tilespmem:s14+$0x780];
	v7 =	vadd.f32 v19, v17;
	v9 =	vadd.f32 v14, v9;
	v11 =	vsel vm0, v13, v11  }
0x20f: {  	v48 =	vld [tilespmem:s14+$0x380];
	v15 =	vadd.f32 v15, v16;
	v8 =	vsel vm0, v10, v8;
	v10 =	vadd.f32 v37, v12  }
0x210: {  	v4 =	vsub.f32 $0.0e+00, v4;
	v53 =	vld [tilespmem:s14+$0xFFFFFA00];
	v13 =	vperm.xlane v11, v2  }
0x211: {  	v16 =	vld [tilespmem:s6+$0xFFFFFFF0];
	v12 =	vperm.xlane v8, v2;
	v7 =	vsel vm0, v7, v15;
	v9 =	vsel vm0, v10, v9  }
0x212: {  	v18 =	vld [tilespmem:s14+$0x300];
	v5 =	vperm.xlane v7, v2;
	v15 =	vperm.xlane v9, v2  }
0x213: {  	v4 =	vmul.f32 $1.442695020e+00, v4;
	v14 =	vld [tilespmem:s14+$0x0];
	v11 =	vadd.f32 v13, v11;
	v8 =	vadd.f32 v12, v8  }
0x214: {  	v51 =	vperm.xlane v48, v0;
	v10 =	vld [tilespmem:s14+$0x400];
	v7 =	vadd.f32 v5, v7;
	v9 =	vadd.f32 v15, v9  }
0x215: {  	v52 =	vperm.xlane v49, v0;
	v61 =	vperm.xlane v53, v0;
	v8 =	vsel vm1, v8, v11;
	v11 =	vld [tilespmem:s14+$0x500]  }
0x216: {  	v21 =	vadd.f32 v51, v48;
	v6 =	vadd.f32 v6, v16;
	v16 =	vld [tilespmem:s14+$0x700];
	v5 =	vpop (erf);
	v7 =	vsel vm1, v7, v9  }
0x217: {  	v23 =	vadd.f32 v61, v53;
	v44 =	vperm.xlane v18, v0;
	v12 =	vld [tilespmem:s14+$0x200];
	v17 =	vpop (erf);
	v19 =	vperm.xlane v7, v3  }
0x218: {  	v13 =	vld [tilespmem:s14+$0x600];
	v6 =	vmul.f32 v56, v6;
	v9 =	vadd.f32 $1.000000000e+00, v17;
	v17 =	vperm.xlane v8, v3  }
0x219: {  	v15 =	vld [tilespmem:s14+$0x100];
	v39 =	vperm.xlane v10, v0;
	v7 =	vadd.f32 v19, v7;
	v19 =	vperm.xlane v14, v0  }
0x21a: {  	v42 =	vperm.xlane v11, v0;
	(erf) = vrcp.f32 v9;
	v8 =	vadd.f32 v17, v8;
	v9 =	vld [tilespmem:s14+$0x80]  }
0x21b: {  	v10 =	vadd.f32 v39, v10;
	v45 =	vperm.xlane v16, v0;
	v17 =	vld [tilespmem:s14+$0x480];
	(erf) = vpow2.f32 v4  }
0x21c: {  	v43 =	vld [tilespmem:s14+$0x180];
	v14 =	vadd.f32 v19, v14;
	v4 =	vsel vm3, v8, v7;
	v7 =	vperm.xlane v12, v0  }
0x21d: {  	v11 =	vadd.f32 v42, v11;
	v16 =	vadd.f32 v45, v16;
	v8 =	vperm.xlane v13, v0  }
0x21e: {  	v46 =	vld [tilespmem:s14+$0x580];
	v4 =	vadd.f32 v6, v4;
	v6 =	vperm.xlane v15, v0;
	v7 =	vadd.f32 v7, v12  }
0x21f: {  	v12 =	vperm.xlane v40, v0;
	v8 =	vadd.f32 v8, v13;
	v13 =	vperm.xlane v41, v0  }
0x220: {  	v10 =	vsel vm2, v14, v10;
	v19 =	vperm.xlane v9, v0;
	v47 =	vperm.xlane v17, v0  }
0x221: {  	v6 =	vadd.f32 v6, v15;
	v15 =	vadd.f32 v44, v18;
	v18 =	vperm.xlane v43, v0  }
0x222: {  	v12 =	vadd.f32 v12, v40;
	v13 =	vadd.f32 v13, v41;
	v7 =	vsel vm2, v7, v8  }
0x223: {  	v8 =	vadd.f32 v52, v49;
	v9 =	vadd.f32 v19, v9;
	v19 =	vperm.xlane v46, v0  }
0x224: {  	v17 =	vadd.f32 v47, v17;
	v18 =	vadd.f32 v18, v43;
	v6 =	vsel vm2, v6, v11  }
0x225: {  	v11 =	vsel vm2, v15, v16;
	v16 =	vperm.xlane v10, v1;
	v12 =	vsel vm2, v12, v13  }
0x226: {  	v50 =	vld [tilespmem:s14+$0xFFFFFC00];
	v55 =	vperm.xlane v6, v1;
	v56 =	vperm.xlane v11, v1;
	v8 =	vsel vm2, v21, v8  }
0x227: {  	v25 =	vld [tilespmem:s14+$0xFFFFFE00];
	v19 =	vadd.f32 v19, v46;
	v9 =	vsel vm2, v9, v17;
	v17 =	vperm.xlane v7, v1  }
0x228: {  	v62 =	vld [tilespmem:s14+$0xFFFFFE80];
	v58 =	vperm.xlane v12, v1;
	v10 =	vadd.f32 v16, v10;
	v59 =	vperm.xlane v8, v1  }
0x229: {  	v60 =	vld [tilespmem:s14+$0xFFFFFA80];
	s6 =	sadd.s32 $0x20, s6;
	v57 =	vperm.xlane v9, v1;
	v6 =	vadd.f32 v55, v6;
	v18 =	vsel vm2, v18, v19  }
0x22a: {  	v42 =	vld [tilespmem:s6+$0x0];
	v11 =	vadd.f32 v56, v11;
	v7 =	vadd.f32 v17, v7;
	v16 =	vperm.xlane v18, v1  }
0x22b: {  	v14 =	vld [tilespmem:s14+$0xFFFFF900];
	v12 =	vadd.f32 v58, v12;
	v9 =	vadd.f32 v57, v9  }
0x22c: {  	v63 =	vperm.xlane v25, v0;
	v44 =	vld [tilespmem:s14+$0xFFFFFD80];
	v8 =	vadd.f32 v59, v8;
	v16 =	vadd.f32 v16, v18  }
0x22d: {  	v15 =	vld [tilespmem:s14+$0xFFFFFD00];
	v6 =	vsel vm0, v6, v11;
	v7 =	vsel vm0, v10, v7;
	v9 =	vsel vm0, v9, v12  }
0x22e: {  	v13 =	vld [tilespmem:s14+$0xFFFFFB00];
	v11 =	vperm.xlane v7, v2;
	v12 =	vperm.xlane v6, v2;
	v8 =	vsel vm0, v16, v8  }
0x22f: {  	s7 =	sadd.s32 $0x20, s7;
	v21 =	vld [tilespmem:s14+$0xFFFFF880];
	v55 =	vadd.f32 v63, v25;
	v40 =	vperm.xlane v9, v2;
	v41 =	vperm.xlane v8, v2  }
0x230: {  	v43 =	vperm.xlane v14, v0;
	v11 =	vadd.f32 v11, v7;
	v6 =	vadd.f32 v12, v6;
	v12 =	vld [tilespmem:s7+$0x0]  }
0x231: {  	v54 =	vperm.xlane v50, v0;
	v19 =	vld [tilespmem:s14+$0xFFFFFF00];
	v9 =	vadd.f32 v40, v9;
	v8 =	vadd.f32 v41, v8  }
0x232: {  	v56 =	vperm.xlane v62, v0;
	v14 =	vadd.f32 v43, v14;
	v58 =	vperm.xlane v44, v0;
	v7 =	vld [tilespmem:$0x10700]  }
0x233: {  	v17 =	vld [tilespmem:s14+$0xFFFFFC80];
	v45 =	vperm.xlane v15, v0;
	v11 =	vsel vm1, v11, v6;
	v8 =	vsel vm1, v9, v8  }
0x234: {  	v18 =	vld [tilespmem:s14+$0xFFFFF800];
	v16 =	vadd.f32 v54, v50;
	v50 =	vperm.xlane v11, v3;
	v51 =	vperm.xlane v8, v3  }
0x235: {  	v10 =	vld [tilespmem:s14+$0xFFFFF980];
	v47 =	vperm.xlane v13, v0;
	v61 =	vadd.f32 v58, v44;
	v12 =	vadd.f32 v12, v42  }
0x236: {  	v52 =	vperm.xlane v21, v0;
	v6 =	vld [tilespmem:$0x10680];
	v11 =	vadd.f32 v50, v11;
	v8 =	vadd.f32 v51, v8  }
0x237: {  	v48 =	vld [tilespmem:s14+$0xFFFFFB80];
	v15 =	vadd.f32 v45, v15;
	v13 =	vadd.f32 v47, v13;
	v12 =	vmul.f32 v12, v7  }
0x238: {  	v49 =	vperm.xlane v19, v0;
	v53 =	vperm.xlane v17, v0;
	v9 =	vld [tilespmem:s14+$0xFFFFFF80];
	v8 =	vsel vm3, v11, v8  }
0x239: {  	v14 =	vsel vm2, v14, v15;
	v46 =	vperm.xlane v18, v0;
	v8 =	vadd.f32 v12, v8  }
0x23a: {  	v57 =	vperm.xlane v10, v0;
	v15 =	vadd.f32 v49, v19;
	v17 =	vadd.f32 v53, v17  }
0x23b: {  	v54 =	vperm.xlane v60, v0;
	v18 =	vadd.f32 v46, v18;
	v8 =	vadd.f32 v8, v6  }
0x23c: {  	v13 =	vsel vm2, v13, v15;
	v10 =	vadd.f32 v57, v10;
	v11 =	vperm.xlane v48, v0  }
0x23d: {  	v59 =	vperm.xlane v9, v0;
	v12 =	vsel vm2, v18, v16;
	v8 =	vsub.f32 $0.0e+00, v8  }
0x23e: {  	v16 =	vsel vm2, v23, v55;
	v18 =	vadd.f32 v52, v21;
	v19 =	vperm.xlane v12, v1  }
0x23f: {  	v11 =	vadd.f32 v11, v48;
	v9 =	vadd.f32 v59, v9;
	v8 =	vmul.f32 $1.442695020e+00, v8  }
0x240: {  	v17 =	vsel vm2, v18, v17;
	v18 =	vsel vm2, v10, v61;
	v10 =	vperm.xlane v14, v1  }
0x241: {  	v15 =	vadd.f32 v54, v60;
	(erf) = vpow2.f32 v8;
	v8 =	vperm.xlane v16, v1  }
0x242: {  	v9 =	vsel vm2, v11, v9;
	v11 =	vadd.f32 v19, v12;
	v12 =	vperm.xlane v13, v1  }
0x243: {  	v60 =	vadd.f32 v56, v62;
	v8 =	vadd.f32 v8, v16  }
0x244: {  	v14 =	vadd.f32 v10, v14;
	v63 =	vperm.xlane v9, v1;
	v12 =	vadd.f32 v12, v13  }
0x245: {  	v15 =	vsel vm2, v15, v60;
	v19 =	vperm.xlane v17, v1;
	v10 =	vsel vm0, v11, v8;
	v8 =	vld [tilespmem:s6+$0xFFFFFFF0]  }
0x246: {  	v16 =	vperm.xlane v15, v1;
	v11 =	vsel vm0, v14, v12;
	v14 =	vadd.f32 v63, v9;
	v9 =	vld [tilespmem:s7+$0xFFFFFFF0]  }
0x247: {  	v62 =	vperm.xlane v18, v1  }
0x248: {  	v17 =	vadd.f32 v19, v17;
	v19 =	vadd.f32 v16, v15  }
0x249: {  	s31 =	simm.s32 $0x13F80;
	[tilespmem:s25+$0x0] =	vst v5;
	v4 =	vadd.f32 v4, v38;
	s14 =	sadd.s32 $0x20, s25;
	v13 =	vadd.f32 v62, v18;
	v15 =	vpop (erf)  }
0x24a: {  	s28 =	smov.u32 s25;
	s30 =	simm.s32 $0x4;
	s29 =	smov.u32 s14;
	[tilespmem:s14+$0x0] =	vst v15;
	v5 =	vpop (erf);
	v15 =	vperm.xlane v10, v2;
	v16 =	vperm.xlane v11, v2;
	v12 =	vsel vm0, v17, v19  }
.LBB2_10:
0x24b: {  	v17 =	vld [tilespmem:s31+$0x0];
	v13 =	vsel vm0, v13, v14;
	v14 =	vperm.xlane v12, v2;
	v8 =	vadd.f32 v9, v8  }
0x24c: {  	v9 =	vld [tilespmem:s31+$0x400];
	v10 =	vadd.f32 v15, v10;
	v11 =	vadd.f32 v16, v11;
	v15 =	vperm.xlane v13, v2;
	v16 =	vpop (erf)  }
0x24d: {  	v18 =	vld [tilespmem:s31+$0x200];
	v12 =	vadd.f32 v14, v12;
	v7 =	vmul.f32 v7, v8;
	v8 =	vadd.f32 $1.000000000e+00, v16  }
0x24e: {  	v4 =	vsub.f32 $0.0e+00, v4;
	v14 =	vld [tilespmem:s31+$0x600];
	v10 =	vsel vm1, v10, v11;
	v11 =	vadd.f32 v15, v13  }
0x24f: {  	v5 =	vadd.f32 $1.000000000e+00, v5;
	v13 =	vld [tilespmem:s31+$0x100];
	v15 =	vperm.xlane v10, v3;
	(erf) = vrcp.f32 v8  }
0x250: {  	v4 =	vmul.f32 $1.442695020e+00, v4;
	v8 =	vld [tilespmem:s31+$0x500];
	v11 =	vsel vm1, v12, v11  }
0x251: {  	v12 =	vld [tilespmem:s31+$0x300];
	v10 =	vadd.f32 v15, v10;
	v15 =	vperm.xlane v11, v3;
	(erf) = vrcp.f32 v5  }
0x252: {  	v16 =	vld [tilespmem:s31+$0x700];
	(erf) = vpow2.f32 v4  }
0x253: {  	v19 =	vld [tilespmem:s31+$0x80];
	v4 =	vadd.f32 v15, v11  }
0x254: {  	v11 =	vld [tilespmem:s31+$0x480]  }
0x255: {  	v5 =	vperm.xlane v17, v0;
	v15 =	vperm.xlane v9, v0;
	v20 =	vld [tilespmem:s31+$0x280];
	v4 =	vsel vm3, v10, v4  }
0x256: {  	v21 =	vperm.xlane v14, v0;
	v10 =	vperm.xlane v18, v0;
	v22 =	vld [tilespmem:s31+$0x680];
	v4 =	vadd.f32 v7, v4  }
0x257: {  	v23 =	vperm.xlane v8, v0;
	v7 =	vperm.xlane v13, v0;
	v24 =	vld [tilespmem:s31+$0x180]  }
0x258: {  	s14 =	sadd.s32 $0x20, s14;
	v25 =	vperm.xlane v12, v0;
	v26 =	vperm.xlane v16, v0;
	v27 =	vld [tilespmem:s31+$0x580];
	v4 =	vadd.f32 v4, v6;
	v6 =	vpop (erf)  }
0x259: {  	v17 =	vadd.f32 v5, v17;
	v28 =	vperm.xlane v19, v0;
	v29 =	vperm.xlane v11, v0;
	v30 =	vld [tilespmem:s31+$0x380];
	[tilespmem:s14+$0x0] =	vst v6  }
0x25a: {  	v6 =	vadd.f32 v15, v9;
	v9 =	vadd.f32 v10, v18;
	v10 =	vperm.xlane v20, v0;
	v15 =	vld [tilespmem:s31+$0x780];
	v18 =	vpop (erf)  }
0x25b: {  	v14 =	vadd.f32 v21, v14;
	v7 =	vadd.f32 v7, v13;
	v31 =	vld [tilespmem:s31+$0xFFFFFC00];
	v13 =	vperm.xlane v22, v0;
	v5 =	vpop (erf);
	[tilespmem:s28+$0xFFFFFFF0] =	vst v18;
	s28 =	smov.u32 s29;
	s29 =	smov.u32 s14  }
0x25c: {  	v8 =	vadd.f32 v23, v8;
	v12 =	vadd.f32 v25, v12;
	v18 =	vld [tilespmem:s31+$0xFFFFFA00];
	v21 =	vperm.xlane v24, v0  }
0x25d: {  	s30 =	sadd.s32 $0x2, s30;
	v16 =	vadd.f32 v26, v16;
	v19 =	vadd.f32 v28, v19;
	v23 =	vld [tilespmem:s31+$0xFFFFFE00];
	v25 =	vperm.xlane v27, v0  }
0x25e: {  	p1 =	slt.u32 s30, $0x6;
	v11 =	vadd.f32 v29, v11;
	v10 =	vadd.f32 v10, v20;
	v26 =	vld [tilespmem:s31+$0xFFFFF900];
	v20 =	vperm.xlane v30, v0  }
0x25f: {  	v13 =	vadd.f32 v13, v22;
	v21 =	vadd.f32 v21, v24;
	v28 =	vld [tilespmem:s31+$0xFFFFFD00];
	v22 =	vperm.xlane v15, v0  }
0x260: {  	v25 =	vadd.f32 v25, v27;
	v24 =	vperm.xlane v31, v0;
	v29 =	vld [tilespmem:s31+$0xFFFFFB00];
	v20 =	vadd.f32 v20, v30  }
0x261: {  	v6 =	vsel vm2, v17, v6;
	v9 =	vsel vm2, v9, v14;
	v27 =	vld [tilespmem:s31+$0xFFFFFF00];
	v14 =	vadd.f32 v22, v15  }
0x262: {  	v7 =	vsel vm2, v7, v8;
	v8 =	vsel vm2, v12, v16;
	v11 =	vsel vm2, v19, v11;
	v15 =	vld [tilespmem:s31+$0xFFFFF880]  }
0x263: {  	v16 =	vperm.xlane v6, v1;
	v17 =	vperm.xlane v9, v1;
	v10 =	vsel vm2, v10, v13;
	v12 =	vld [tilespmem:s31+$0xFFFFFC80]  }
0x264: {  	v19 =	vperm.xlane v7, v1;
	v22 =	vperm.xlane v8, v1;
	v21 =	vsel vm2, v21, v25;
	v13 =	vld [tilespmem:s31+$0xFFFFFA80]  }
0x265: {  	v30 =	vperm.xlane v11, v1;
	v32 =	vperm.xlane v10, v1;
	v14 =	vsel vm2, v20, v14;
	v25 =	vld [tilespmem:s31+$0xFFFFFE80]  }
0x266: {  	v6 =	vadd.f32 v16, v6;
	v9 =	vadd.f32 v17, v9;
	v16 =	vperm.xlane v21, v1;
	v20 =	vld [tilespmem:s31+$0xFFFFF980]  }
0x267: {  	v7 =	vadd.f32 v19, v7;
	v8 =	vadd.f32 v22, v8;
	v19 =	vperm.xlane v14, v1;
	v17 =	vld [tilespmem:s31+$0xFFFFFD80]  }
0x268: {  	v11 =	vadd.f32 v30, v11;
	v10 =	vadd.f32 v32, v10;
	v22 =	vperm.xlane v18, v0;
	v33 =	vld [tilespmem:s31+$0xFFFFFB80]  }
0x269: {  	v30 =	vperm.xlane v23, v0;
	v16 =	vadd.f32 v16, v21;
	v14 =	vadd.f32 v19, v14;
	v32 =	vld [tilespmem:s31+$0xFFFFFF80]  }
0x26a: {  	v6 =	vsel vm0, v6, v9;
	v9 =	vsel vm0, v11, v10;
	v7 =	vsel vm0, v7, v8;
	v19 =	vld [tilespmem:s31+$0xFFFFF800]  }
0x26b: {  	s6 =	sadd.s32 $0x20, s6;
	v8 =	vperm.xlane v6, v2;
	v10 =	vperm.xlane v7, v2;
	v11 =	vsel vm0, v16, v14  }
0x26c: {  	s7 =	sadd.s32 $0x20, s7;
	v14 =	vadd.f32 v24, v31;
	v16 =	vperm.xlane v9, v2;
	v21 =	vperm.xlane v11, v2;
	v24 =	vld [tilespmem:s6+$0x0]  }
0x26d: {  	v6 =	vadd.f32 v8, v6;
	v31 =	vperm.xlane v26, v0;
	v10 =	vadd.f32 v10, v7;
	v34 =	vld [tilespmem:s7+$0x0]  }
0x26e: {  	v35 =	vperm.xlane v28, v0;
	v16 =	vadd.f32 v16, v9;
	v11 =	vadd.f32 v21, v11;
	v8 =	vld [tilespmem:s6+$0xFFFFFFF0]  }
0x26f: {  	v18 =	vadd.f32 v22, v18;
	v22 =	vperm.xlane v29, v0;
	v21 =	vperm.xlane v19, v0;
	v7 =	vld [tilespmem:$0x10700]  }
0x270: {  	v36 =	vperm.xlane v27, v0;
	v10 =	vsel vm1, v6, v10;
	v11 =	vsel vm1, v16, v11;
	v9 =	vld [tilespmem:s7+$0xFFFFFFF0]  }
0x271: {  	v16 =	vadd.f32 v21, v19;
	v19 =	vperm.xlane v10, v3;
	v21 =	vperm.xlane v11, v3  }
0x272: {  	v37 =	vperm.xlane v15, v0;
	v38 =	vperm.xlane v12, v0;
	v24 =	vadd.f32 v34, v24  }
0x273: {  	v34 =	vperm.xlane v13, v0;
	v6 =	vld [tilespmem:$0x10680];
	v10 =	vadd.f32 v19, v10;
	v11 =	vadd.f32 v21, v11  }
0x274: {  	v19 =	vadd.f32 v30, v23;
	v21 =	vperm.xlane v25, v0;
	v23 =	vmul.f32 v24, v7  }
0x275: {  	v30 =	vperm.xlane v17, v0;
	v24 =	vperm.xlane v20, v0;
	v10 =	vsel vm3, v10, v11  }
0x276: {  	v39 =	vperm.xlane v32, v0;
	v11 =	vperm.xlane v33, v0;
	v10 =	vadd.f32 v23, v10  }
0x277: {  	v14 =	vsel vm2, v16, v14;
	v16 =	vadd.f32 v31, v26;
	v23 =	vadd.f32 v35, v28  }
0x278: {  	v18 =	vsel vm2, v18, v19;
	v19 =	vadd.f32 v22, v29;
	v10 =	vadd.f32 v10, v6  }
0x279: {  	v15 =	vadd.f32 v37, v15;
	v22 =	vadd.f32 v36, v27;
	v16 =	vsel vm2, v16, v23  }
0x27a: {  	v12 =	vadd.f32 v38, v12;
	v23 =	vperm.xlane v14, v1;
	v10 =	vsub.f32 $0.0e+00, v10  }
0x27b: {  	v13 =	vadd.f32 v34, v13;
	v21 =	vadd.f32 v21, v25;
	v19 =	vsel vm2, v19, v22  }
0x27c: {  	v17 =	vadd.f32 v30, v17;
	v20 =	vadd.f32 v24, v20;
	v10 =	vmul.f32 $1.442695020e+00, v10  }
0x27d: {  	v12 =	vsel vm2, v15, v12;
	v15 =	vadd.f32 v39, v32;
	v11 =	vadd.f32 v11, v33  }
0x27e: {  	v13 =	vsel vm2, v13, v21;
	v17 =	vsel vm2, v20, v17;
	(erf) = vpow2.f32 v10  }
0x27f: {  	v20 =	vperm.xlane v16, v1;
	v15 =	vsel vm2, v11, v15;
	v10 =	vperm.xlane v18, v1  }
0x280: {  	v21 =	vperm.xlane v12, v1;
	v11 =	vadd.f32 v23, v14;
	v14 =	vperm.xlane v19, v1  }
.Ltmp3:
0x281: {  	v22 =	vperm.xlane v17, v1;
	v10 =	vadd.f32 v10, v18;
	v18 =	vperm.xlane v13, v1;
	(pc) =	sbr.rel @p1 .LBB2_10-.Ltmp3, $4  }
0x282: {  	v16 =	vadd.f32 v20, v16;
	v14 =	vadd.f32 v14, v19;
	v19 =	vperm.xlane v15, v1  }
0x283: {  	v12 =	vadd.f32 v21, v12;
	v10 =	vsel vm0, v11, v10;
	v18 =	vadd.f32 v18, v13  }
0x284: {  	v11 =	vsel vm0, v16, v14;
	v13 =	vadd.f32 v22, v17;
	v14 =	vadd.f32 v19, v15  }
0x285: {  	s31 =	sadd.s32 $0x1000, s31;
	v15 =	vperm.xlane v10, v2;
	v16 =	vperm.xlane v11, v2;
	v12 =	vsel vm0, v12, v18  }
0x286: {  	v17 =	vperm.xlane v12, v2;
	v13 =	vsel vm0, v13, v14;
	v4 =	vsub.f32 $0.0e+00, v4  }
0x287: {  	v5 =	vadd.f32 $1.000000000e+00, v5;
	v10 =	vadd.f32 v15, v10;
	v14 =	vperm.xlane v13, v2;
	v59 =	vpop (erf)  }
0x288: {  	v11 =	vadd.f32 v16, v11;
	v15 =	vadd.f32 $1.000000000e+00, v59  }
0x289: {  	v12 =	vadd.f32 v17, v12;
	v13 =	vadd.f32 v14, v13  }
0x28a: {  	v4 =	vmul.f32 $1.442695020e+00, v4;
	v10 =	vsel vm1, v10, v11;
	(erf) = vrcp.f32 v15  }
0x28b: {  	v11 =	vperm.xlane v10, v3;
	v12 =	vsel vm1, v12, v13;
	(erf) = vrcp.f32 v5  }
0x28c: {  	v5 =	vperm.xlane v12, v3;
	(erf) = vpow2.f32 v4  }
0x28d: {  	v4 =	vadd.f32 v9, v8  }
0x28e: {  	v60 =	vadd.f32 v11, v10;
	v5 =	vadd.f32 v5, v12  }
0x28f: {  	v4 =	vmul.f32 v7, v4  }
0x290: {  	v5 =	vsel vm3, v60, v5  }
0x291: {  	v4 =	vadd.f32 v4, v5;
	_ =	sdelay $0x1  }
0x292: {  	v4 =	vadd.f32 v4, v6;
	v5 =	vpop (erf)  }
0x293: {  	v61 =	vpop (erf)  }
0x294: {  	v62 =	vpop (erf);
	v4 =	vsub.f32 $0.0e+00, v4  }
0x295: {  	v7 =	vadd.f32 $1.000000000e+00, v62  }
0x296: {  	v4 =	vmul.f32 $1.442695020e+00, v4  }
0x297: {  	(erf) = vrcp.f32 v7  }
0x298: {  	(erf) = vpow2.f32 v4;
	_ =	sdelay $0x7  }
0x299: {  	v4 =	vpop (erf)  }
0x29a: {  	v63 =	vpop (erf)  }
0x29b: {  	v7 =	vadd.f32 $1.000000000e+00, v63;
	_ =	sdelay $0x1  }
0x29c: {  	(erf) = vrcp.f32 v7;
	_ =	sdelay $0x5  }
0x29d: {  	s6 =	sadd.s32 $0x20, s14  }
0x29e: {  	[tilespmem:s6+$0x0] =	vst v5  }
0x29f: {  	[tilespmem:s28+$0xFFFFFFF0] =	vst v61  }
0x2a0: {  	[tilespmem:s29+$0xFFFFFFF0] =	vst v4;
	v4 =	vpop (erf)  }
0x2a1: {  	[tilespmem:s6+$0xFFFFFFF0] =	vst v4  }
0x2a2: {  	p1 =	seq.s32 s26, $0x4  }
.Ltmp4:
0x2a3: {  	_ = 	snop;
	(pc) =	sbr.rel @!p1 .LBB2_3-.Ltmp4, $2  }
0x2a4: {  	_ =	sdelay $0x2  }
0x2a5: {  	p0 =	por !p0, !p0;
	s25 =	sadd.s32 $0x80, s25;
	s6 =	smov.u32 s26  }
0x2a6: {  	s24 =	sadd.s32 $0x1, s24  }
0x2a7: {  	p0 =	sne.s32 s24, s12  }
.Ltmp5:
0x2a8: {  	s6 =	simm.s32 $0x14780;
	(pc) =	sbr.rel @p0 .LBB2_1-.Ltmp5, $4  }
0x2a9: {  	[hbm4b:s11+s8] =	stream.linear.scatter [tilespmem:s6], [sflag:$0x5], $0x200, $0x38;
	[tilespmem:$0x14980] =	vst v63  }
0x2aa: {  	_ =	swait.ge [sflag:s15], $0x200  }
0x2ab: {  	[sflag:s15] =	ssyncset.done $0x0  }
0x2ac: {  	[sflag:s15] =	ssyncadd.s32 $0xFFFFFE00  }
0x2ad: {  	_ =	sfence.sel $0x180000  }
0x2ae: {  	[bflag:$0x0] =	sbarrier.arrive $0xFFFF  }
0x2af: {  	_ =	strace $0x90000047  }
0x2b0: {  	s0 =	stileid.u32;
	[bflag:$0x2] =	sbarrier.arrive $0xFFFF  }
0x2b1: {  	p0 =	sne.s32 s0, $0x0;
	s0 =	rddreg [dreg:$0x9]  }
0x2b2: {  	s0 =	sadd.s32 @!p0 $0x100000, s0  }
0x2b3: {  	[sflag:s0] =	ssyncadd.tile.s32 @!p0 $0x1;
	_ =	shalt  }
.Lfunc_end2:
_tile_overlayer_lowered:
.L_overlay_start_2:
0x2b4: {  	(tag) =	ssettag $0x2  }
0x2b5: {  	s0 =	rddreg [dreg:$0x0];
	s2 =	stileid.u32  }
0x2b6: {  	s1 =	rddreg [dreg:$0x1];
	p0 =	sne.s32 s2, $0x0  }
0x2b7: {  	s3 =	rddreg [dreg:$0x2];
	[bflag:$0x3] =	sbarrier.arrive $0xFFFF;
	s2 =	simm.s32 @!p0 $0x1C05  }
0x2b8: {  	[timem:s3], [sflag:s2] =	dma.local @!p0 [hbm:s0], s1  }
0x2b9: {  	s0 =	simm.s32 @!p0 $0x5  }
0x2ba: {  	_ =	swait.ge @!p0 [sflag:s0], s1  }
0x2bb: {  	s1 =	ssub.s32 @!p0 $0x0, s1;
	[sflag:s0] =	ssyncset.done @!p0 $0x0  }
0x2bc: {  	[sflag:s0] =	ssyncadd.s32 @!p0 s1  }
0x2bd: {  	[bflag:$0x3] =	sbarrier.arrive $0xFFFF  }
0x2be: {  	_ =	shalt  }

</sc_bundles>
